<compile_context>
chip_gen: v7x
topology: tpu7x:2x2x1
jax: 0.10.2.dev20260603
libtpu: 0.0.44.dev20260713+nightly
codegen_flags: <defaults>
</compile_context>

<pallas_src>
import functools
import math

import jax
import jax.numpy as jnp
import numpy as np
from jax import lax
from jax.experimental import pallas as pl
from jax.experimental.pallas import tpu as pltpu
from jax.experimental.pallas import tpu_sc as plsc

H = 12
S = 2048
DH = 64
RB = 512
N_TOT = H * S * S
LOG_N = float(math.log(N_TOT))
SHIFT = 14
K = 0x40000000 >> SHIFT
R2, C2 = K // 128, 128
VEC = 16
NW = 32
PER_W = N_TOT // NW
CH = 16384
CHL = 8192
SIGN_MASK = np.int32(-2147483648)
ABS_MASK = np.int32(0x7FFFFFFF)


def _scores_body(q_ref, k_ref, o_ref):
    q = q_ref[0]
    k = k_ref[0]
    sc = lax.dot_general(q, k, (((1,), (1,)), ((), ())),
                         preferred_element_type=jnp.float32)
    lq = jnp.sqrt(jnp.sum(q * q, axis=1)) + 1e-5
    lk = jnp.sqrt(jnp.sum(k * k, axis=1)) + 1e-5
    o_ref[0] = sc / (lq[:, None] * lk[None, :])


def _table_body(h_ref, t_ref):
    c = jnp.sum(h_ref[...].astype(jnp.float32), axis=0).reshape(R2, C2)
    ii = lax.broadcasted_iota(jnp.int32, (C2, C2), 0)
    jj = lax.broadcasted_iota(jnp.int32, (C2, C2), 1)
    m = (ii >= jj).astype(jnp.float32)
    s_in = lax.dot_general(c, m, (((1,), (0,)), ((), ())),
                           preferred_element_type=jnp.float32)
    t = s_in[:, 0]
    ra = lax.broadcasted_iota(jnp.int32, (R2, R2), 0)
    rb = lax.broadcasted_iota(jnp.int32, (R2, R2), 1)
    later = jnp.sum(t[:, None] * (ra > rb).astype(jnp.float32), axis=0)
    big_t = s_in + later[:, None]
    mid = jnp.maximum(big_t - 0.5 * c + 0.5, 1.0)
    t_ref[...] = jnp.maximum(LOG_N - jnp.log(mid), 0.0)


def _final_body(r_ref, v_ref, o_ref):
    r = r_ref[0]
    denom = jnp.sum(jnp.abs(r), axis=1, keepdims=True)
    o_ref[0] = lax.dot_general(r / denom, v_ref[0], (((1,), (0,)), ((), ())),
                               preferred_element_type=jnp.float32)


@functools.cache
def _sc_hist_call():
    mesh = plsc.VectorSubcoreMesh(core_axis_name="c", subcore_axis_name="s")
    return pl.kernel(
        _sc_hist,
        out_type=jax.ShapeDtypeStruct((NW, K), jnp.int32),
        mesh=mesh,
        compiler_params=pltpu.CompilerParams(needs_layout_passes=False),
        scratch_types=[
            pltpu.VMEM((K,), jnp.int32),
            pltpu.VMEM((CH,), jnp.float32),
            pltpu.VMEM((CH,), jnp.float32),
            pltpu.SemaphoreType.DMA,
            pltpu.SemaphoreType.DMA,
        ],
    )


def _sc_hist(scores_hbm, out_hbm, hist_v, buf_a, buf_b, sem_a, sem_b):
    wid = lax.axis_index("s") * 2 + lax.axis_index("c")
    base = wid * PER_W
    zeros16 = jnp.zeros((VEC,), jnp.int32)
    ones16 = jnp.ones((VEC,), jnp.int32)
    nch = PER_W // CH

    @plsc.parallel_loop(0, K // VEC, unroll=8)
    def zbody(i):
        hist_v[pl.ds(i * VEC, VEC)] = zeros16

    def _start(ci, buf, sem):
        pltpu.async_copy(scores_hbm.at[pl.ds(base + ci * CH, CH)], buf, sem)

    def _wait(ci, buf, sem):
        pltpu.make_async_copy(
            scores_hbm.at[pl.ds(base + ci * CH, CH)], buf, sem).wait()

    def _process(buf):
        @plsc.parallel_loop(0, CH // VEC, unroll=8)
        def vbody(j):
            v = buf[pl.ds(j * VEC, VEC)]
            a = lax.bitcast_convert_type(v, jnp.int32) & ABS_MASK
            bid = jnp.minimum(a >> SHIFT, K - 1)
            plsc.addupdate_scatter(hist_v, [bid], ones16)

    _start(0, buf_a, sem_a)

    def cbody(i, carry):
        _start(2 * i + 1, buf_b, sem_b)
        _wait(2 * i, buf_a, sem_a)
        _process(buf_a)

        @pl.when(i + 1 < nch // 2)
        def _():
            _start(2 * i + 2, buf_a, sem_a)
        _wait(2 * i + 1, buf_b, sem_b)
        _process(buf_b)
        return carry
    lax.fori_loop(0, nch // 2, cbody, 0)
    pltpu.sync_copy(hist_v, out_hbm.at[wid])


@functools.cache
def _sc_lookup_call():
    mesh = plsc.VectorSubcoreMesh(core_axis_name="c", subcore_axis_name="s")
    return pl.kernel(
        _sc_lookup,
        out_type=jax.ShapeDtypeStruct((N_TOT,), jnp.float32),
        mesh=mesh,
        compiler_params=pltpu.CompilerParams(needs_layout_passes=False),
        scratch_types=[
            pltpu.VMEM((K,), jnp.float32),
            pltpu.VMEM((CHL,), jnp.float32),
            pltpu.VMEM((CHL,), jnp.float32),
            pltpu.VMEM((CHL,), jnp.float32),
            pltpu.VMEM((CHL,), jnp.float32),
            pltpu.SemaphoreType.DMA,
            pltpu.SemaphoreType.DMA,
            pltpu.SemaphoreType.DMA,
            pltpu.SemaphoreType.DMA,
        ],
    )


def _sc_lookup(scores_hbm, table_hbm, out_hbm, tbl_v, in_a, in_b, oup_a, oup_b,
               isem_a, isem_b, osem_a, osem_b):
    wid = lax.axis_index("s") * 2 + lax.axis_index("c")
    base = wid * PER_W
    pltpu.sync_copy(table_hbm, tbl_v)
    nch = PER_W // CHL

    def _istart(ci, buf, sem):
        pltpu.async_copy(scores_hbm.at[pl.ds(base + ci * CHL, CHL)], buf, sem)

    def _iwait(ci, buf, sem):
        pltpu.make_async_copy(
            scores_hbm.at[pl.ds(base + ci * CHL, CHL)], buf, sem).wait()

    def _ostart(ci, buf, sem):
        pltpu.async_copy(buf, out_hbm.at[pl.ds(base + ci * CHL, CHL)], sem)

    def _owait(ci, buf, sem):
        pltpu.make_async_copy(
            buf, out_hbm.at[pl.ds(base + ci * CHL, CHL)], sem).wait()

    def _process(ibuf, obuf):
        @plsc.parallel_loop(0, CHL // VEC, unroll=8)
        def vbody(j):
            sl = pl.ds(j * VEC, VEC)
            v = ibuf[sl]
            u = lax.bitcast_convert_type(v, jnp.int32)
            a = u & ABS_MASK
            bid = jnp.minimum(a >> SHIFT, K - 1)
            mag = plsc.load_gather(tbl_v, [bid])
            sr = lax.bitcast_convert_type(
                lax.bitcast_convert_type(mag, jnp.int32) | (u & SIGN_MASK),
                jnp.float32)
            obuf[sl] = sr

    _istart(0, in_a, isem_a)

    def cbody(i, carry):
        _istart(2 * i + 1, in_b, isem_b)
        _iwait(2 * i, in_a, isem_a)

        @pl.when(i > 0)
        def _():
            _owait(2 * i - 2, oup_a, osem_a)
        _process(in_a, oup_a)
        _ostart(2 * i, oup_a, osem_a)

        @pl.when(i + 1 < nch // 2)
        def _():
            _istart(2 * i + 2, in_a, isem_a)
        _iwait(2 * i + 1, in_b, isem_b)

        @pl.when(i > 0)
        def _():
            _owait(2 * i - 1, oup_b, osem_b)
        _process(in_b, oup_b)
        _ostart(2 * i + 1, oup_b, osem_b)
        return carry
    lax.fori_loop(0, nch // 2, cbody, 0)
    _owait(nch - 2, oup_a, osem_a)
    _owait(nch - 1, oup_b, osem_b)


def kernel(query, key, value):
    B, S_, D = query.shape
    qh = query.reshape(S_, H, DH).transpose(1, 0, 2)
    kh = key.reshape(S_, H, DH).transpose(1, 0, 2)
    vh = value.reshape(S_, H, DH).transpose(1, 0, 2)

    scores = pl.pallas_call(
        _scores_body,
        grid=(H, S // RB),
        in_specs=[
            pl.BlockSpec((1, RB, DH), lambda h, r: (h, r, 0)),
            pl.BlockSpec((1, S, DH), lambda h, r: (h, 0, 0)),
        ],
        out_specs=pl.BlockSpec((1, RB, S), lambda h, r: (h, r, 0)),
        out_shape=jax.ShapeDtypeStruct((H, S, S), jnp.float32),
    )(qh, kh)

    flat = scores.reshape(N_TOT)
    hists = _sc_hist_call()(flat)
    table = pl.pallas_call(
        _table_body,
        out_shape=jax.ShapeDtypeStruct((R2, C2), jnp.float32),
    )(hists)
    ranks = _sc_lookup_call()(flat, table.reshape(-1))

    outh = pl.pallas_call(
        _final_body,
        grid=(H, S // RB),
        in_specs=[
            pl.BlockSpec((1, RB, S), lambda h, r: (h, r, 0)),
            pl.BlockSpec((1, S, DH), lambda h, r: (h, 0, 0)),
        ],
        out_specs=pl.BlockSpec((1, RB, DH), lambda h, r: (h, r, 0)),
        out_shape=jax.ShapeDtypeStruct((H, S, DH), jnp.float32),
    )(ranks.reshape(H, S, S), vh)
    return outh.transpose(1, 0, 2).reshape(B, S_, D)

# --- scband reference (transcript-rebuilt; emitter-appended) ---
"""Pipeline reference for scband-multi-head-attention-7782480741069 (READ-ONLY COPY).

The authoritative reference and input builder live on the scoring server;
editing this copy changes nothing except your own understanding.
"""

import jax, jax.numpy as jnp
import numpy as np

N_HEAD = 12

def setup_inputs(seed: int = 0) -> dict:
    key = jax.random.key(seed)
    kq, kk, kv = jax.random.split(key, 3)
    B, S, D = 1, 2048, 768
    query = jax.random.normal(kq, (B, S, D), dtype=jnp.float32)
    k = jax.random.normal(kk, (B, S, D), dtype=jnp.float32)
    v = jax.random.normal(kv, (B, S, D), dtype=jnp.float32)
    return {"query": query, "key": k, "value": v}

def _corr_attention(q, k, v):
    score = jnp.matmul(q, jnp.swapaxes(k, -1, -2))
    len_q = jnp.sqrt(jnp.sum(q * q, axis=-1)) + 1e-05
    len_k = jnp.sqrt(jnp.sum(k * k, axis=-1)) + 1e-05
    len_mat = jnp.matmul(len_q[..., :, None], len_k[..., None, :])
    score = score / len_mat
    signal = jnp.sign(score)
    size = score.shape
    flat = jnp.abs(score).reshape(-1)
    idx = jnp.argsort(-flat)  # descending order
    n = flat.shape[0]
    prob = jnp.arange(1, n + 1, dtype=flat.dtype) / n
    flat = flat.at[idx].set(prob)
    score = -jnp.log(flat).reshape(size) * signal
    score = score / jnp.sum(jnp.abs(score), axis=-1, keepdims=True)
    return jnp.matmul(score, v)

def reference(query, key, value):
    B, S, D = query.shape
    dh = D // N_HEAD
    q = query.reshape(B, S, N_HEAD, dh).transpose(0, 2, 1, 3)
    k = key.reshape(B, S, N_HEAD, dh).transpose(0, 2, 1, 3)
    v = value.reshape(B, S, N_HEAD, dh).transpose(0, 2, 1, 3)
    v_out = _corr_attention(q, k, v)
    out = v_out.transpose(0, 2, 1, 3).reshape(B, S, D)
    return out

if __name__ == "__main__":
    import jax
    _d = setup_inputs()
    print(jax.jit(kernel)(*tuple(_d.values())))

</pallas_src>

<mosaic_0001>
#map = affine_map<(d0, d1) -> (0)>
module attributes {stable_mosaic.version = 14 : i64} {
  func.func @_sc_lookup(%arg0: i32, %arg1: i32, %arg2: memref<50331648xf32, #tpu.memory_space<hbm>>, %arg3: memref<65536xf32, #tpu.memory_space<hbm>>, %arg4: memref<50331648xf32, #tpu.memory_space<hbm>>, %arg5: memref<65536xf32, #tpu.memory_space<vmem>>, %arg6: memref<8192xf32, #tpu.memory_space<vmem>>, %arg7: memref<8192xf32, #tpu.memory_space<vmem>>, %arg8: memref<8192xf32, #tpu.memory_space<vmem>>, %arg9: memref<8192xf32, #tpu.memory_space<vmem>>, %arg10: memref<!tpu.dma_semaphore, #tpu.memory_space<semaphore_mem>>, %arg11: memref<!tpu.dma_semaphore, #tpu.memory_space<semaphore_mem>>, %arg12: memref<!tpu.dma_semaphore, #tpu.memory_space<semaphore_mem>>, %arg13: memref<!tpu.dma_semaphore, #tpu.memory_space<semaphore_mem>>) attributes {dimension_semantics = [#tpu.dimension_semantics<core_parallel>, #tpu.dimension_semantics<subcore_parallel>], iteration_bounds = array<i64: 2, 16>, scalar_prefetch = 0 : i64, scratch_operands = 9 : i64, tpu.core_type = #tpu.core_type<sc_vector_subcore>, window_params = [{transform_indices = #map}, {transform_indices = #map}, {transform_indices = #map}]} {
    %mul3A = arith.constant 2 : i32
    %mul3A_0 = arith.muli %arg1, %mul3A : i32
    %add3A = arith.addi %mul3A_0, %arg0 : i32
    %mul3A_1 = arith.constant 1572864 : i32
    %mul3A_2 = arith.muli %add3A, %mul3A_1 : i32
    "tpu.region"() ({
      %run_scoped3A = tpu.sem_alloc : memref<!tpu.dma_semaphore, #tpu.memory_space<semaphore_mem>>
      tpu.enqueue_dma source(%arg3 : memref<65536xf32, #tpu.memory_space<hbm>>) target(%arg5 : memref<65536xf32, #tpu.memory_space<vmem>>) target_semaphore(%run_scoped3A : memref<!tpu.dma_semaphore, #tpu.memory_space<semaphore_mem>>)
      tpu.wait_dma2 semaphore(%run_scoped3A : memref<!tpu.dma_semaphore, #tpu.memory_space<semaphore_mem>>) src(%arg3 : memref<65536xf32, #tpu.memory_space<hbm>>) dst(%arg5 : memref<65536xf32, #tpu.memory_space<vmem>>)
      tpu.yield
    }) : () -> ()
    %add3A_3 = arith.constant 0 : i32
    %add3A_4 = arith.addi %mul3A_2, %add3A_3 : i32
    %dma_start3A = tpu.memref_slice %arg2[%add3A_4] : memref<50331648xf32, #tpu.memory_space<hbm>> -> memref<8192xf32, #tpu.memory_space<hbm>>
    %dma_start3A_5 = tpu.memref_slice %arg2[%add3A_4] : memref<50331648xf32, #tpu.memory_space<hbm>> -> memref<8192xf32, #tpu.memory_space<hbm>>
    tpu.enqueue_dma source(%dma_start3A_5 : memref<8192xf32, #tpu.memory_space<hbm>>) target(%arg6 : memref<8192xf32, #tpu.memory_space<vmem>>) target_semaphore(%arg10 : memref<!tpu.dma_semaphore, #tpu.memory_space<semaphore_mem>>)
    %scan3A = arith.constant 0 : i32
    %scan3A_6 = arith.constant 0 : i32
    %scan3A_7 = arith.constant 96 : i32
    %scan3A_8 = arith.addi %scan3A_6, %scan3A_7 : i32
    %scan3A_9 = arith.constant 1 : i32
    scf.for %scan3A_18 = %scan3A_6 to %scan3A_8 step %scan3A_9  : i32 {
      %mul3A_19 = arith.constant 2 : i32
      %mul3A_20 = arith.muli %mul3A_19, %scan3A_18 : i32
      %add3A_21 = arith.constant 1 : i32
      %add3A_22 = arith.addi %mul3A_20, %add3A_21 : i32
      %mul3A_23 = arith.constant 8192 : i32
      %mul3A_24 = arith.muli %add3A_22, %mul3A_23 : i32
      %add3A_25 = arith.addi %mul3A_2, %mul3A_24 : i32
      %dma_start3A_26 = tpu.memref_slice %arg2[%add3A_25] : memref<50331648xf32, #tpu.memory_space<hbm>> -> memref<8192xf32, #tpu.memory_space<hbm>>
      %dma_start3A_27 = tpu.memref_slice %arg2[%add3A_25] : memref<50331648xf32, #tpu.memory_space<hbm>> -> memref<8192xf32, #tpu.memory_space<hbm>>
      tpu.enqueue_dma source(%dma_start3A_27 : memref<8192xf32, #tpu.memory_space<hbm>>) target(%arg7 : memref<8192xf32, #tpu.memory_space<vmem>>) target_semaphore(%arg11 : memref<!tpu.dma_semaphore, #tpu.memory_space<semaphore_mem>>)
      %mul3A_28 = arith.constant 2 : i32
      %mul3A_29 = arith.muli %mul3A_28, %scan3A_18 : i32
      %mul3A_30 = arith.constant 8192 : i32
      %mul3A_31 = arith.muli %mul3A_29, %mul3A_30 : i32
      %add3A_32 = arith.addi %mul3A_2, %mul3A_31 : i32
      %dma_wait3A_33 = tpu.memref_slice %arg2[%add3A_32] : memref<50331648xf32, #tpu.memory_space<hbm>> -> memref<8192xf32, #tpu.memory_space<hbm>>
      %dma_wait3A_34 = tpu.memref_slice %arg2[%add3A_32] : memref<50331648xf32, #tpu.memory_space<hbm>> -> memref<8192xf32, #tpu.memory_space<hbm>>
      tpu.wait_dma2 semaphore(%arg10 : memref<!tpu.dma_semaphore, #tpu.memory_space<semaphore_mem>>) src(%dma_wait3A_34 : memref<8192xf32, #tpu.memory_space<hbm>>) dst(%arg6 : memref<8192xf32, #tpu.memory_space<vmem>>)
      %gt3A = arith.constant 0 : i32
      %gt3A_35 = arith.cmpi sgt, %scan3A_18, %gt3A : i32
      %convert_element_type3A = arith.extui %gt3A_35 : i1 to i32
      %cond3A = arith.constant 0 : i32
      %cond3A_36 = arith.cmpi ne, %convert_element_type3A, %cond3A : i32
      scf.if %cond3A_36 {
        %mul3A_78 = arith.constant 2 : i32
        %mul3A_79 = arith.muli %mul3A_78, %scan3A_18 : i32
        %sub3A = arith.constant 2 : i32
        %sub3A_80 = arith.subi %mul3A_79, %sub3A : i32
        %mul3A_81 = arith.constant 8192 : i32
        %mul3A_82 = arith.muli %sub3A_80, %mul3A_81 : i32
        %add3A_83 = arith.addi %mul3A_2, %mul3A_82 : i32
        %dma_wait3A_84 = tpu.memref_slice %arg4[%add3A_83] : memref<50331648xf32, #tpu.memory_space<hbm>> -> memref<8192xf32, #tpu.memory_space<hbm>>
        %dma_wait3A_85 = tpu.memref_slice %arg4[%add3A_83] : memref<50331648xf32, #tpu.memory_space<hbm>> -> memref<8192xf32, #tpu.memory_space<hbm>>
        tpu.wait_dma2 semaphore(%arg12 : memref<!tpu.dma_semaphore, #tpu.memory_space<semaphore_mem>>) src(%arg8 : memref<8192xf32, #tpu.memory_space<vmem>>) dst(%dma_wait3A_85 : memref<8192xf32, #tpu.memory_space<hbm>>)
      } else {
      }
      %parallel_loop3A = arith.constant 0 : i32
      %parallel_loop3A_37 = arith.constant 512 : i32
      %parallel_loop3A_38 = arith.constant 1 : i32
      scf.for %parallel_loop3A_78 = %parallel_loop3A to %parallel_loop3A_37 step %parallel_loop3A_38  : i32 {
        %parallel_loop3A_79 = arith.constant 16 : i32
        %parallel_loop3A_80 = arith.muli %parallel_loop3A_78, %parallel_loop3A_79 : i32
        %parallel_loop3A_81 = arith.index_cast %parallel_loop3A_80 : i32 to index
        %parallel_loop3A_82 = tpu.vector_load %arg6[%parallel_loop3A_81] {strides = array<i32>} : memref<8192xf32, #tpu.memory_space<vmem>>, vector<16xf32>,
        %parallel_loop3A_83 = tpu.bitcast %parallel_loop3A_82 : vector<16xf32> -> vector<16xi32>
        %parallel_loop3A_84 = arith.constant 2147483647 : i32
        %parallel_loop3A_85 = vector.broadcast %parallel_loop3A_84 : i32 to vector<16xi32>
        %parallel_loop3A_86 = arith.andi %parallel_loop3A_83, %parallel_loop3A_85 : vector<16xi32>
        %parallel_loop3A_87 = arith.constant 14 : i32
        %parallel_loop3A_88 = vector.broadcast %parallel_loop3A_87 : i32 to vector<16xi32>
        %parallel_loop3A_89 = arith.shrsi %parallel_loop3A_86, %parallel_loop3A_88 : vector<16xi32>
        %parallel_loop3A_90 = arith.constant 65535 : i32
        %parallel_loop3A_91 = vector.broadcast %parallel_loop3A_90 : i32 to vector<16xi32>
        %parallel_loop3A_92 = arith.minsi %parallel_loop3A_89, %parallel_loop3A_91 : vector<16xi32>
        %parallel_loop3A_93 = tpu.vector_load_idx %arg5[%parallel_loop3A_92] : memref<65536xf32, #tpu.memory_space<vmem>>[vector<16xi32>], vector<16xf32>,
        %parallel_loop3A_94 = tpu.bitcast %parallel_loop3A_93 : vector<16xf32> -> vector<16xi32>
        %parallel_loop3A_95 = arith.constant -2147483648 : i32
        %parallel_loop3A_96 = vector.broadcast %parallel_loop3A_95 : i32 to vector<16xi32>
        %parallel_loop3A_97 = arith.andi %parallel_loop3A_83, %parallel_loop3A_96 : vector<16xi32>
        %parallel_loop3A_98 = arith.ori %parallel_loop3A_94, %parallel_loop3A_97 : vector<16xi32>
        %parallel_loop3A_99 = tpu.bitcast %parallel_loop3A_98 : vector<16xi32> -> vector<16xf32>
        %parallel_loop3A_100 = arith.index_cast %parallel_loop3A_80 : i32 to index
        %parallel_loop3A_101 = tpu.vector_load %arg8[%parallel_loop3A_100] {strides = array<i32>} : memref<8192xf32, #tpu.memory_space<vmem>>, vector<16xf32>,
        tpu.vector_store %arg8[%parallel_loop3A_100], %parallel_loop3A_99 {strides = array<i32>} : memref<8192xf32, #tpu.memory_space<vmem>>, vector<16xf32>,
      } {sc.loop_unroll_factor = 8 : i64, sc.parallel_access}
      %mul3A_39 = arith.constant 2 : i32
      %mul3A_40 = arith.muli %mul3A_39, %scan3A_18 : i32
      %mul3A_41 = arith.constant 8192 : i32
      %mul3A_42 = arith.muli %mul3A_40, %mul3A_41 : i32
      %add3A_43 = arith.addi %mul3A_2, %mul3A_42 : i32
      %dma_start3A_44 = tpu.memref_slice %arg4[%add3A_43] : memref<50331648xf32, #tpu.memory_space<hbm>> -> memref<8192xf32, #tpu.memory_space<hbm>>
      %dma_start3A_45 = tpu.memref_slice %arg4[%add3A_43] : memref<50331648xf32, #tpu.memory_space<hbm>> -> memref<8192xf32, #tpu.memory_space<hbm>>
      tpu.enqueue_dma source(%arg8 : memref<8192xf32, #tpu.memory_space<vmem>>) target(%dma_start3A_45 : memref<8192xf32, #tpu.memory_space<hbm>>) target_semaphore(%arg12 : memref<!tpu.dma_semaphore, #tpu.memory_space<semaphore_mem>>)
      %add3A_46 = arith.constant 1 : i32
      %add3A_47 = arith.addi %scan3A_18, %add3A_46 : i32
      %lt3A = arith.constant 96 : i32
      %lt3A_48 = arith.cmpi slt, %add3A_47, %lt3A : i32
      %convert_element_type3A_49 = arith.extui %lt3A_48 : i1 to i32
      %cond3A_50 = arith.constant 0 : i32
      %cond3A_51 = arith.cmpi ne, %convert_element_type3A_49, %cond3A_50 : i32
      scf.if %cond3A_51 {
        %mul3A_78 = arith.constant 2 : i32
        %mul3A_79 = arith.muli %mul3A_78, %scan3A_18 : i32
        %add3A_80 = arith.constant 2 : i32
        %add3A_81 = arith.addi %mul3A_79, %add3A_80 : i32
        %mul3A_82 = arith.constant 8192 : i32
        %mul3A_83 = arith.muli %add3A_81, %mul3A_82 : i32
        %add3A_84 = arith.addi %mul3A_2, %mul3A_83 : i32
        %dma_start3A_85 = tpu.memref_slice %arg2[%add3A_84] : memref<50331648xf32, #tpu.memory_space<hbm>> -> memref<8192xf32, #tpu.memory_space<hbm>>
        %dma_start3A_86 = tpu.memref_slice %arg2[%add3A_84] : memref<50331648xf32, #tpu.memory_space<hbm>> -> memref<8192xf32, #tpu.memory_space<hbm>>
        tpu.enqueue_dma source(%dma_start3A_86 : memref<8192xf32, #tpu.memory_space<hbm>>) target(%arg6 : memref<8192xf32, #tpu.memory_space<vmem>>) target_semaphore(%arg10 : memref<!tpu.dma_semaphore, #tpu.memory_space<semaphore_mem>>)
      } else {
      }
      %mul3A_52 = arith.constant 2 : i32
      %mul3A_53 = arith.muli %mul3A_52, %scan3A_18 : i32
      %add3A_54 = arith.constant 1 : i32
      %add3A_55 = arith.addi %mul3A_53, %add3A_54 : i32
      %mul3A_56 = arith.constant 8192 : i32
      %mul3A_57 = arith.muli %add3A_55, %mul3A_56 : i32
      %add3A_58 = arith.addi %mul3A_2, %mul3A_57 : i32
      %dma_wait3A_59 = tpu.memref_slice %arg2[%add3A_58] : memref<50331648xf32, #tpu.memory_space<hbm>> -> memref<8192xf32, #tpu.memory_space<hbm>>
      %dma_wait3A_60 = tpu.memref_slice %arg2[%add3A_58] : memref<50331648xf32, #tpu.memory_space<hbm>> -> memref<8192xf32, #tpu.memory_space<hbm>>
      tpu.wait_dma2 semaphore(%arg11 : memref<!tpu.dma_semaphore, #tpu.memory_space<semaphore_mem>>) src(%dma_wait3A_60 : memref<8192xf32, #tpu.memory_space<hbm>>) dst(%arg7 : memref<8192xf32, #tpu.memory_space<vmem>>)
      %gt3A_61 = arith.constant 0 : i32
      %gt3A_62 = arith.cmpi sgt, %scan3A_18, %gt3A_61 : i32
      %convert_element_type3A_63 = arith.extui %gt3A_62 : i1 to i32
      %cond3A_64 = arith.constant 0 : i32
      %cond3A_65 = arith.cmpi ne, %convert_element_type3A_63, %cond3A_64 : i32
      scf.if %cond3A_65 {
        %mul3A_78 = arith.constant 2 : i32
        %mul3A_79 = arith.muli %mul3A_78, %scan3A_18 : i32
        %sub3A = arith.constant 1 : i32
        %sub3A_80 = arith.subi %mul3A_79, %sub3A : i32
        %mul3A_81 = arith.constant 8192 : i32
        %mul3A_82 = arith.muli %sub3A_80, %mul3A_81 : i32
        %add3A_83 = arith.addi %mul3A_2, %mul3A_82 : i32
        %dma_wait3A_84 = tpu.memref_slice %arg4[%add3A_83] : memref<50331648xf32, #tpu.memory_space<hbm>> -> memref<8192xf32, #tpu.memory_space<hbm>>
        %dma_wait3A_85 = tpu.memref_slice %arg4[%add3A_83] : memref<50331648xf32, #tpu.memory_space<hbm>> -> memref<8192xf32, #tpu.memory_space<hbm>>
        tpu.wait_dma2 semaphore(%arg13 : memref<!tpu.dma_semaphore, #tpu.memory_space<semaphore_mem>>) src(%arg9 : memref<8192xf32, #tpu.memory_space<vmem>>) dst(%dma_wait3A_85 : memref<8192xf32, #tpu.memory_space<hbm>>)
      } else {
      }
      %parallel_loop3A_66 = arith.constant 0 : i32
      %parallel_loop3A_67 = arith.constant 512 : i32
      %parallel_loop3A_68 = arith.constant 1 : i32
      scf.for %parallel_loop3A_78 = %parallel_loop3A_66 to %parallel_loop3A_67 step %parallel_loop3A_68  : i32 {
        %parallel_loop3A_79 = arith.constant 16 : i32
        %parallel_loop3A_80 = arith.muli %parallel_loop3A_78, %parallel_loop3A_79 : i32
        %parallel_loop3A_81 = arith.index_cast %parallel_loop3A_80 : i32 to index
        %parallel_loop3A_82 = tpu.vector_load %arg7[%parallel_loop3A_81] {strides = array<i32>} : memref<8192xf32, #tpu.memory_space<vmem>>, vector<16xf32>,
        %parallel_loop3A_83 = tpu.bitcast %parallel_loop3A_82 : vector<16xf32> -> vector<16xi32>
        %parallel_loop3A_84 = arith.constant 2147483647 : i32
        %parallel_loop3A_85 = vector.broadcast %parallel_loop3A_84 : i32 to vector<16xi32>
        %parallel_loop3A_86 = arith.andi %parallel_loop3A_83, %parallel_loop3A_85 : vector<16xi32>
        %parallel_loop3A_87 = arith.constant 14 : i32
        %parallel_loop3A_88 = vector.broadcast %parallel_loop3A_87 : i32 to vector<16xi32>
        %parallel_loop3A_89 = arith.shrsi %parallel_loop3A_86, %parallel_loop3A_88 : vector<16xi32>
        %parallel_loop3A_90 = arith.constant 65535 : i32
        %parallel_loop3A_91 = vector.broadcast %parallel_loop3A_90 : i32 to vector<16xi32>
        %parallel_loop3A_92 = arith.minsi %parallel_loop3A_89, %parallel_loop3A_91 : vector<16xi32>
        %parallel_loop3A_93 = tpu.vector_load_idx %arg5[%parallel_loop3A_92] : memref<65536xf32, #tpu.memory_space<vmem>>[vector<16xi32>], vector<16xf32>,
        %parallel_loop3A_94 = tpu.bitcast %parallel_loop3A_93 : vector<16xf32> -> vector<16xi32>
        %parallel_loop3A_95 = arith.constant -2147483648 : i32
        %parallel_loop3A_96 = vector.broadcast %parallel_loop3A_95 : i32 to vector<16xi32>
        %parallel_loop3A_97 = arith.andi %parallel_loop3A_83, %parallel_loop3A_96 : vector<16xi32>
        %parallel_loop3A_98 = arith.ori %parallel_loop3A_94, %parallel_loop3A_97 : vector<16xi32>
        %parallel_loop3A_99 = tpu.bitcast %parallel_loop3A_98 : vector<16xi32> -> vector<16xf32>
        %parallel_loop3A_100 = arith.index_cast %parallel_loop3A_80 : i32 to index
        %parallel_loop3A_101 = tpu.vector_load %arg9[%parallel_loop3A_100] {strides = array<i32>} : memref<8192xf32, #tpu.memory_space<vmem>>, vector<16xf32>,
        tpu.vector_store %arg9[%parallel_loop3A_100], %parallel_loop3A_99 {strides = array<i32>} : memref<8192xf32, #tpu.memory_space<vmem>>, vector<16xf32>,
      } {sc.loop_unroll_factor = 8 : i64, sc.parallel_access}
      %mul3A_69 = arith.constant 2 : i32
      %mul3A_70 = arith.muli %mul3A_69, %scan3A_18 : i32
      %add3A_71 = arith.constant 1 : i32
      %add3A_72 = arith.addi %mul3A_70, %add3A_71 : i32
      %mul3A_73 = arith.constant 8192 : i32
      %mul3A_74 = arith.muli %add3A_72, %mul3A_73 : i32
      %add3A_75 = arith.addi %mul3A_2, %mul3A_74 : i32
      %dma_start3A_76 = tpu.memref_slice %arg4[%add3A_75] : memref<50331648xf32, #tpu.memory_space<hbm>> -> memref<8192xf32, #tpu.memory_space<hbm>>
      %dma_start3A_77 = tpu.memref_slice %arg4[%add3A_75] : memref<50331648xf32, #tpu.memory_space<hbm>> -> memref<8192xf32, #tpu.memory_space<hbm>>
      tpu.enqueue_dma source(%arg9 : memref<8192xf32, #tpu.memory_space<vmem>>) target(%dma_start3A_77 : memref<8192xf32, #tpu.memory_space<hbm>>) target_semaphore(%arg13 : memref<!tpu.dma_semaphore, #tpu.memory_space<semaphore_mem>>)
    }
    %scan3A_10 = arith.constant 96 : i32
    %add3A_11 = arith.constant 1556480 : i32
    %add3A_12 = arith.addi %mul3A_2, %add3A_11 : i32
    %dma_wait3A = tpu.memref_slice %arg4[%add3A_12] : memref<50331648xf32, #tpu.memory_space<hbm>> -> memref<8192xf32, #tpu.memory_space<hbm>>
    %dma_wait3A_13 = tpu.memref_slice %arg4[%add3A_12] : memref<50331648xf32, #tpu.memory_space<hbm>> -> memref<8192xf32, #tpu.memory_space<hbm>>
    tpu.wait_dma2 semaphore(%arg12 : memref<!tpu.dma_semaphore, #tpu.memory_space<semaphore_mem>>) src(%arg8 : memref<8192xf32, #tpu.memory_space<vmem>>) dst(%dma_wait3A_13 : memref<8192xf32, #tpu.memory_space<hbm>>)
    %add3A_14 = arith.constant 1564672 : i32
    %add3A_15 = arith.addi %mul3A_2, %add3A_14 : i32
    %dma_wait3A_16 = tpu.memref_slice %arg4[%add3A_15] : memref<50331648xf32, #tpu.memory_space<hbm>> -> memref<8192xf32, #tpu.memory_space<hbm>>
    %dma_wait3A_17 = tpu.memref_slice %arg4[%add3A_15] : memref<50331648xf32, #tpu.memory_space<hbm>> -> memref<8192xf32, #tpu.memory_space<hbm>>
    tpu.wait_dma2 semaphore(%arg13 : memref<!tpu.dma_semaphore, #tpu.memory_space<semaphore_mem>>) src(%arg9 : memref<8192xf32, #tpu.memory_space<vmem>>) dst(%dma_wait3A_17 : memref<8192xf32, #tpu.memory_space<hbm>>)
    return
  }
}

#map = affine_map<(d0, d1) -> (0)>
#map1 = affine_map<(d0, d1) -> (0, 0)>
module attributes {stable_mosaic.version = 14 : i64} {
  func.func @_sc_hist(%arg0: i32, %arg1: i32, %arg2: memref<50331648xf32, #tpu.memory_space<hbm>>, %arg3: memref<32x65536xi32, #tpu.memory_space<hbm>>, %arg4: memref<65536xi32, #tpu.memory_space<vmem>>, %arg5: memref<16384xf32, #tpu.memory_space<vmem>>, %arg6: memref<16384xf32, #tpu.memory_space<vmem>>, %arg7: memref<!tpu.dma_semaphore, #tpu.memory_space<semaphore_mem>>, %arg8: memref<!tpu.dma_semaphore, #tpu.memory_space<semaphore_mem>>) attributes {dimension_semantics = [#tpu.dimension_semantics<core_parallel>, #tpu.dimension_semantics<subcore_parallel>], iteration_bounds = array<i64: 2, 16>, scalar_prefetch = 0 : i64, scratch_operands = 5 : i64, tpu.core_type = #tpu.core_type<sc_vector_subcore>, window_params = [{transform_indices = #map}, {transform_indices = #map1}]} {
    %mul3A = arith.constant 2 : i32
    %mul3A_0 = arith.muli %arg1, %mul3A : i32
    %add3A = arith.addi %mul3A_0, %arg0 : i32
    %mul3A_1 = arith.constant 1572864 : i32
    %mul3A_2 = arith.muli %add3A, %mul3A_1 : i32
    %broadcast_in_dim3A = arith.constant 0 : i32
    %broadcast_in_dim3A_3 = vector.broadcast %broadcast_in_dim3A : i32 to vector<16xi32>
    %broadcast_in_dim3A_4 = arith.constant 1 : i32
    %broadcast_in_dim3A_5 = vector.broadcast %broadcast_in_dim3A_4 : i32 to vector<16xi32>
    %parallel_loop3A = arith.constant 0 : i32
    %parallel_loop3A_6 = arith.constant 4096 : i32
    %parallel_loop3A_7 = arith.constant 1 : i32
    scf.for %parallel_loop3A_16 = %parallel_loop3A to %parallel_loop3A_6 step %parallel_loop3A_7  : i32 {
      %parallel_loop3A_17 = arith.constant 16 : i32
      %parallel_loop3A_18 = arith.muli %parallel_loop3A_16, %parallel_loop3A_17 : i32
      %parallel_loop3A_19 = arith.index_cast %parallel_loop3A_18 : i32 to index
      %parallel_loop3A_20 = tpu.vector_load %arg4[%parallel_loop3A_19] {strides = array<i32>} : memref<65536xi32, #tpu.memory_space<vmem>>, vector<16xi32>,
      tpu.vector_store %arg4[%parallel_loop3A_19], %broadcast_in_dim3A_3 {strides = array<i32>} : memref<65536xi32, #tpu.memory_space<vmem>>, vector<16xi32>,
    } {sc.loop_unroll_factor = 8 : i64, sc.parallel_access}
    %add3A_8 = arith.constant 0 : i32
    %add3A_9 = arith.addi %mul3A_2, %add3A_8 : i32
    %dma_start3A = tpu.memref_slice %arg2[%add3A_9] : memref<50331648xf32, #tpu.memory_space<hbm>> -> memref<16384xf32, #tpu.memory_space<hbm>>
    %dma_start3A_10 = tpu.memref_slice %arg2[%add3A_9] : memref<50331648xf32, #tpu.memory_space<hbm>> -> memref<16384xf32, #tpu.memory_space<hbm>>
    tpu.enqueue_dma source(%dma_start3A_10 : memref<16384xf32, #tpu.memory_space<hbm>>) target(%arg5 : memref<16384xf32, #tpu.memory_space<vmem>>) target_semaphore(%arg7 : memref<!tpu.dma_semaphore, #tpu.memory_space<semaphore_mem>>)
    %scan3A = arith.constant 0 : i32
    %scan3A_11 = arith.constant 0 : i32
    %scan3A_12 = arith.constant 48 : i32
    %scan3A_13 = arith.addi %scan3A_11, %scan3A_12 : i32
    %scan3A_14 = arith.constant 1 : i32
    scf.for %scan3A_16 = %scan3A_11 to %scan3A_13 step %scan3A_14  : i32 {
      %mul3A_17 = arith.constant 2 : i32
      %mul3A_18 = arith.muli %mul3A_17, %scan3A_16 : i32
      %add3A_19 = arith.constant 1 : i32
      %add3A_20 = arith.addi %mul3A_18, %add3A_19 : i32
      %mul3A_21 = arith.constant 16384 : i32
      %mul3A_22 = arith.muli %add3A_20, %mul3A_21 : i32
      %add3A_23 = arith.addi %mul3A_2, %mul3A_22 : i32
      %dma_start3A_24 = tpu.memref_slice %arg2[%add3A_23] : memref<50331648xf32, #tpu.memory_space<hbm>> -> memref<16384xf32, #tpu.memory_space<hbm>>
      %dma_start3A_25 = tpu.memref_slice %arg2[%add3A_23] : memref<50331648xf32, #tpu.memory_space<hbm>> -> memref<16384xf32, #tpu.memory_space<hbm>>
      tpu.enqueue_dma source(%dma_start3A_25 : memref<16384xf32, #tpu.memory_space<hbm>>) target(%arg6 : memref<16384xf32, #tpu.memory_space<vmem>>) target_semaphore(%arg8 : memref<!tpu.dma_semaphore, #tpu.memory_space<semaphore_mem>>)
      %mul3A_26 = arith.constant 2 : i32
      %mul3A_27 = arith.muli %mul3A_26, %scan3A_16 : i32
      %mul3A_28 = arith.constant 16384 : i32
      %mul3A_29 = arith.muli %mul3A_27, %mul3A_28 : i32
      %add3A_30 = arith.addi %mul3A_2, %mul3A_29 : i32
      %dma_wait3A = tpu.memref_slice %arg2[%add3A_30] : memref<50331648xf32, #tpu.memory_space<hbm>> -> memref<16384xf32, #tpu.memory_space<hbm>>
      %dma_wait3A_31 = tpu.memref_slice %arg2[%add3A_30] : memref<50331648xf32, #tpu.memory_space<hbm>> -> memref<16384xf32, #tpu.memory_space<hbm>>
      tpu.wait_dma2 semaphore(%arg7 : memref<!tpu.dma_semaphore, #tpu.memory_space<semaphore_mem>>) src(%dma_wait3A_31 : memref<16384xf32, #tpu.memory_space<hbm>>) dst(%arg5 : memref<16384xf32, #tpu.memory_space<vmem>>)
      %parallel_loop3A_32 = arith.constant 0 : i32
      %parallel_loop3A_33 = arith.constant 1024 : i32
      %parallel_loop3A_34 = arith.constant 1 : i32
      scf.for %parallel_loop3A_51 = %parallel_loop3A_32 to %parallel_loop3A_33 step %parallel_loop3A_34  : i32 {
        %parallel_loop3A_52 = arith.constant 16 : i32
        %parallel_loop3A_53 = arith.muli %parallel_loop3A_51, %parallel_loop3A_52 : i32
        %parallel_loop3A_54 = arith.index_cast %parallel_loop3A_53 : i32 to index
        %parallel_loop3A_55 = tpu.vector_load %arg5[%parallel_loop3A_54] {strides = array<i32>} : memref<16384xf32, #tpu.memory_space<vmem>>, vector<16xf32>,
        %parallel_loop3A_56 = tpu.bitcast %parallel_loop3A_55 : vector<16xf32> -> vector<16xi32>
        %parallel_loop3A_57 = arith.constant 2147483647 : i32
        %parallel_loop3A_58 = vector.broadcast %parallel_loop3A_57 : i32 to vector<16xi32>
        %parallel_loop3A_59 = arith.andi %parallel_loop3A_56, %parallel_loop3A_58 : vector<16xi32>
        %parallel_loop3A_60 = arith.constant 14 : i32
        %parallel_loop3A_61 = vector.broadcast %parallel_loop3A_60 : i32 to vector<16xi32>
        %parallel_loop3A_62 = arith.shrsi %parallel_loop3A_59, %parallel_loop3A_61 : vector<16xi32>
        %parallel_loop3A_63 = arith.constant 65535 : i32
        %parallel_loop3A_64 = vector.broadcast %parallel_loop3A_63 : i32 to vector<16xi32>
        %parallel_loop3A_65 = arith.minsi %parallel_loop3A_62, %parallel_loop3A_64 : vector<16xi32>
        tpu.vector_store_idx %arg4[%parallel_loop3A_65], %broadcast_in_dim3A_5 {add = true} : memref<65536xi32, #tpu.memory_space<vmem>>[vector<16xi32>], vector<16xi32>,
      } {sc.loop_unroll_factor = 8 : i64, sc.parallel_access}
      %add3A_35 = arith.constant 1 : i32
      %add3A_36 = arith.addi %scan3A_16, %add3A_35 : i32
      %lt3A = arith.constant 48 : i32
      %lt3A_37 = arith.cmpi slt, %add3A_36, %lt3A : i32
      %convert_element_type3A = arith.extui %lt3A_37 : i1 to i32
      %cond3A = arith.constant 0 : i32
      %cond3A_38 = arith.cmpi ne, %convert_element_type3A, %cond3A : i32
      scf.if %cond3A_38 {
        %mul3A_51 = arith.constant 2 : i32
        %mul3A_52 = arith.muli %mul3A_51, %scan3A_16 : i32
        %add3A_53 = arith.constant 2 : i32
        %add3A_54 = arith.addi %mul3A_52, %add3A_53 : i32
        %mul3A_55 = arith.constant 16384 : i32
        %mul3A_56 = arith.muli %add3A_54, %mul3A_55 : i32
        %add3A_57 = arith.addi %mul3A_2, %mul3A_56 : i32
        %dma_start3A_58 = tpu.memref_slice %arg2[%add3A_57] : memref<50331648xf32, #tpu.memory_space<hbm>> -> memref<16384xf32, #tpu.memory_space<hbm>>
        %dma_start3A_59 = tpu.memref_slice %arg2[%add3A_57] : memref<50331648xf32, #tpu.memory_space<hbm>> -> memref<16384xf32, #tpu.memory_space<hbm>>
        tpu.enqueue_dma source(%dma_start3A_59 : memref<16384xf32, #tpu.memory_space<hbm>>) target(%arg5 : memref<16384xf32, #tpu.memory_space<vmem>>) target_semaphore(%arg7 : memref<!tpu.dma_semaphore, #tpu.memory_space<semaphore_mem>>)
      } else {
      }
      %mul3A_39 = arith.constant 2 : i32
      %mul3A_40 = arith.muli %mul3A_39, %scan3A_16 : i32
      %add3A_41 = arith.constant 1 : i32
      %add3A_42 = arith.addi %mul3A_40, %add3A_41 : i32
      %mul3A_43 = arith.constant 16384 : i32
      %mul3A_44 = arith.muli %add3A_42, %mul3A_43 : i32
      %add3A_45 = arith.addi %mul3A_2, %mul3A_44 : i32
      %dma_wait3A_46 = tpu.memref_slice %arg2[%add3A_45] : memref<50331648xf32, #tpu.memory_space<hbm>> -> memref<16384xf32, #tpu.memory_space<hbm>>
      %dma_wait3A_47 = tpu.memref_slice %arg2[%add3A_45] : memref<50331648xf32, #tpu.memory_space<hbm>> -> memref<16384xf32, #tpu.memory_space<hbm>>
      tpu.wait_dma2 semaphore(%arg8 : memref<!tpu.dma_semaphore, #tpu.memory_space<semaphore_mem>>) src(%dma_wait3A_47 : memref<16384xf32, #tpu.memory_space<hbm>>) dst(%arg6 : memref<16384xf32, #tpu.memory_space<vmem>>)
      %parallel_loop3A_48 = arith.constant 0 : i32
      %parallel_loop3A_49 = arith.constant 1024 : i32
      %parallel_loop3A_50 = arith.constant 1 : i32
      scf.for %parallel_loop3A_51 = %parallel_loop3A_48 to %parallel_loop3A_49 step %parallel_loop3A_50  : i32 {
        %parallel_loop3A_52 = arith.constant 16 : i32
        %parallel_loop3A_53 = arith.muli %parallel_loop3A_51, %parallel_loop3A_52 : i32
        %parallel_loop3A_54 = arith.index_cast %parallel_loop3A_53 : i32 to index
        %parallel_loop3A_55 = tpu.vector_load %arg6[%parallel_loop3A_54] {strides = array<i32>} : memref<16384xf32, #tpu.memory_space<vmem>>, vector<16xf32>,
        %parallel_loop3A_56 = tpu.bitcast %parallel_loop3A_55 : vector<16xf32> -> vector<16xi32>
        %parallel_loop3A_57 = arith.constant 2147483647 : i32
        %parallel_loop3A_58 = vector.broadcast %parallel_loop3A_57 : i32 to vector<16xi32>
        %parallel_loop3A_59 = arith.andi %parallel_loop3A_56, %parallel_loop3A_58 : vector<16xi32>
        %parallel_loop3A_60 = arith.constant 14 : i32
        %parallel_loop3A_61 = vector.broadcast %parallel_loop3A_60 : i32 to vector<16xi32>
        %parallel_loop3A_62 = arith.shrsi %parallel_loop3A_59, %parallel_loop3A_61 : vector<16xi32>
        %parallel_loop3A_63 = arith.constant 65535 : i32
        %parallel_loop3A_64 = vector.broadcast %parallel_loop3A_63 : i32 to vector<16xi32>
        %parallel_loop3A_65 = arith.minsi %parallel_loop3A_62, %parallel_loop3A_64 : vector<16xi32>
        tpu.vector_store_idx %arg4[%parallel_loop3A_65], %broadcast_in_dim3A_5 {add = true} : memref<65536xi32, #tpu.memory_space<vmem>>[vector<16xi32>], vector<16xi32>,
      } {sc.loop_unroll_factor = 8 : i64, sc.parallel_access}
    }
    %scan3A_15 = arith.constant 48 : i32
    "tpu.region"() ({
      %run_scoped3A = tpu.sem_alloc : memref<!tpu.dma_semaphore, #tpu.memory_space<semaphore_mem>>
      %dma_start3A_16 = arith.constant 0 : i32
      %dma_start3A_17 = tpu.memref_slice %arg3[%add3A, %dma_start3A_16] : memref<32x65536xi32, #tpu.memory_space<hbm>> -> memref<1x65536xi32, #tpu.memory_space<hbm>>
      %dma_start3A_18 = tpu.memref_squeeze %dma_start3A_17 : memref<1x65536xi32, #tpu.memory_space<hbm>> -> memref<65536xi32, #tpu.memory_space<hbm>>
      %dma_start3A_19 = arith.constant 0 : i32
      %dma_start3A_20 = tpu.memref_slice %arg3[%add3A, %dma_start3A_19] : memref<32x65536xi32, #tpu.memory_space<hbm>> -> memref<1x65536xi32, #tpu.memory_space<hbm>>
      %dma_start3A_21 = tpu.memref_squeeze %dma_start3A_20 : memref<1x65536xi32, #tpu.memory_space<hbm>> -> memref<65536xi32, #tpu.memory_space<hbm>>
      tpu.enqueue_dma source(%arg4 : memref<65536xi32, #tpu.memory_space<vmem>>) target(%dma_start3A_21 : memref<65536xi32, #tpu.memory_space<hbm>>) target_semaphore(%run_scoped3A : memref<!tpu.dma_semaphore, #tpu.memory_space<semaphore_mem>>)
      %dma_wait3A = arith.constant 0 : i32
      %dma_wait3A_22 = tpu.memref_slice %arg3[%add3A, %dma_wait3A] : memref<32x65536xi32, #tpu.memory_space<hbm>> -> memref<1x65536xi32, #tpu.memory_space<hbm>>
      %dma_wait3A_23 = tpu.memref_squeeze %dma_wait3A_22 : memref<1x65536xi32, #tpu.memory_space<hbm>> -> memref<65536xi32, #tpu.memory_space<hbm>>
      %dma_wait3A_24 = arith.constant 0 : i32
      %dma_wait3A_25 = tpu.memref_slice %arg3[%add3A, %dma_wait3A_24] : memref<32x65536xi32, #tpu.memory_space<hbm>> -> memref<1x65536xi32, #tpu.memory_space<hbm>>
      %dma_wait3A_26 = tpu.memref_squeeze %dma_wait3A_25 : memref<1x65536xi32, #tpu.memory_space<hbm>> -> memref<65536xi32, #tpu.memory_space<hbm>>
      tpu.wait_dma2 semaphore(%run_scoped3A : memref<!tpu.dma_semaphore, #tpu.memory_space<semaphore_mem>>) src(%arg4 : memref<65536xi32, #tpu.memory_space<vmem>>) dst(%dma_wait3A_26 : memref<65536xi32, #tpu.memory_space<hbm>>)
      tpu.yield
    }) : () -> ()
    return
  }
}

module attributes {stable_mosaic.version = 14 : i64} {
  func.func @_scores_body(%arg0: i32, %arg1: i32, %arg2: memref<1x512x64xf32, #tpu.memory_space<vmem>>, %arg3: memref<1x2048x64xf32, #tpu.memory_space<vmem>>, %arg4: memref<1x512x2048xf32, #tpu.memory_space<vmem>>) attributes {dimension_semantics = [#tpu.dimension_semantics<arbitrary>, #tpu.dimension_semantics<arbitrary>], iteration_bounds = array<i64: 12, 4>, scalar_prefetch = 0 : i64, scratch_operands = 0 : i64, tpu.core_type = #tpu.core_type<tc>, window_params = [{transform_indices = @transform_0, window_bounds = array<i64: 1, 512, 64>}, {transform_indices = @transform_1, window_bounds = array<i64: 1, 2048, 64>}, {transform_indices = @transform_2, window_bounds = array<i64: 1, 512, 2048>}]} {
    %get3A = arith.constant 0 : index
    %get3A_0 = arith.constant 0 : index
    %get3A_1 = arith.constant 0 : index
    %get3A_2 = vector.load %arg2[%get3A, %get3A_0, %get3A_1] : memref<1x512x64xf32, #tpu.memory_space<vmem>>, vector<1x512x64xf32>
    %get3A_3 = vector.shape_cast %get3A_2 : vector<1x512x64xf32> to vector<512x64xf32>
    %get3A_4 = arith.constant 0 : index
    %get3A_5 = arith.constant 0 : index
    %get3A_6 = arith.constant 0 : index
    %get3A_7 = vector.load %arg3[%get3A_4, %get3A_5, %get3A_6] : memref<1x2048x64xf32, #tpu.memory_space<vmem>>, vector<1x2048x64xf32>
    %get3A_8 = vector.shape_cast %get3A_7 : vector<1x2048x64xf32> to vector<2048x64xf32>
    %dot_general3A = arith.constant dense<0.000000e+00> : vector<512x2048xf32>
    %dot_general3A_9 = tpu.matmul %get3A_3, %get3A_8, %dot_general3A {dimension_numbers = #tpu.dot_dimension_numbers<[1], [1], [0], [0], [0, 0, 1, 0], [], []>, transpose_lhs_hint = false} : vector<512x64xf32>, vector<2048x64xf32>, vector<512x2048xf32> -> vector<512x2048xf32>
    %mul3A = arith.mulf %get3A_3, %get3A_3 : vector<512x64xf32>
    %reduce_sum3A = arith.constant dense<0.000000e+00> : vector<512xf32>
    %reduce_sum3A_10 = vector.multi_reduction <add>, %mul3A, %reduce_sum3A [1] : vector<512x64xf32> to vector<512xf32>
    %sqrt3A = math.sqrt %reduce_sum3A_10 : vector<512xf32>
    %add3A = arith.constant 9.99999974E-6 : f32
    %add3A_11 = vector.broadcast %add3A : f32 to vector<512xf32>
    %add3A_12 = arith.addf %sqrt3A, %add3A_11 : vector<512xf32>
    %mul3A_13 = arith.mulf %get3A_8, %get3A_8 : vector<2048x64xf32>
    %reduce_sum3A_14 = arith.constant dense<0.000000e+00> : vector<2048xf32>
    %reduce_sum3A_15 = vector.multi_reduction <add>, %mul3A_13, %reduce_sum3A_14 [1] : vector<2048x64xf32> to vector<2048xf32>
    %sqrt3A_16 = math.sqrt %reduce_sum3A_15 : vector<2048xf32>
    %add3A_17 = arith.constant 9.99999974E-6 : f32
    %add3A_18 = vector.broadcast %add3A_17 : f32 to vector<2048xf32>
    %add3A_19 = arith.addf %sqrt3A_16, %add3A_18 : vector<2048xf32>
    %broadcast_in_dim3A = vector.shape_cast %add3A_12 : vector<512xf32> to vector<512x1xf32>
    %broadcast_in_dim3A_20 = vector.shape_cast %add3A_19 : vector<2048xf32> to vector<1x2048xf32>
    %mul3A_21 = vector.broadcast %broadcast_in_dim3A : vector<512x1xf32> to vector<512x2048xf32>
    %mul3A_22 = vector.broadcast %broadcast_in_dim3A_20 : vector<1x2048xf32> to vector<512x2048xf32>
    %mul3A_23 = arith.mulf %mul3A_21, %mul3A_22 : vector<512x2048xf32>
    %div3A = arith.divf %dot_general3A_9, %mul3A_23 : vector<512x2048xf32>
    %swap3A = arith.constant 0 : index
    %swap3A_24 = arith.constant 0 : index
    %swap3A_25 = arith.constant 0 : index
    %swap3A_26 = vector.load %arg4[%swap3A, %swap3A_24, %swap3A_25] : memref<1x512x2048xf32, #tpu.memory_space<vmem>>, vector<1x512x2048xf32>
    %swap3A_27 = vector.shape_cast %swap3A_26 : vector<1x512x2048xf32> to vector<512x2048xf32>
    %swap3A_28 = vector.shape_cast %div3A : vector<512x2048xf32> to vector<1x512x2048xf32>
    tpu.vector_store %arg4[%swap3A, %swap3A_24, %swap3A_25], %swap3A_28 {strides = array<i32>} : memref<1x512x2048xf32, #tpu.memory_space<vmem>>, vector<1x512x2048xf32>,
    return
  }
  func.func @transform_0(%arg0: i32, %arg1: i32) -> (i32, i32, i32) {
    %c0_i32 = arith.constant 0 : i32
    %c0_i32_0 = arith.constant 0 : i32
    return %arg0, %arg1, %c0_i32 : i32, i32, i32
  }
  func.func @transform_1(%arg0: i32, %arg1: i32) -> (i32, i32, i32) {
    %c0_i32 = arith.constant 0 : i32
    %c0_i32_0 = arith.constant 0 : i32
    %c0_i32_1 = arith.constant 0 : i32
    return %arg0, %c0_i32, %c0_i32_0 : i32, i32, i32
  }
  func.func @transform_2(%arg0: i32, %arg1: i32) -> (i32, i32, i32) {
    %c0_i32 = arith.constant 0 : i32
    %c0_i32_0 = arith.constant 0 : i32
    return %arg0, %arg1, %c0_i32 : i32, i32, i32
  }
}

module attributes {stable_mosaic.version = 14 : i64} {
  func.func @_table_body(%arg0: memref<32x65536xi32, #tpu.memory_space<vmem>>, %arg1: memref<512x128xf32, #tpu.memory_space<vmem>>) attributes {dimension_semantics = [], scalar_prefetch = 0 : i64, scratch_operands = 0 : i64, tpu.core_type = #tpu.core_type<tc>} {
    %get3A = arith.constant 0 : index
    %get3A_0 = arith.constant 0 : index
    %get3A_1 = vector.load %arg0[%get3A, %get3A_0] : memref<32x65536xi32, #tpu.memory_space<vmem>>, vector<32x65536xi32>
    %convert_element_type3A = arith.sitofp %get3A_1 : vector<32x65536xi32> to vector<32x65536xf32>
    %reduce_sum3A = arith.constant dense<0.000000e+00> : vector<65536xf32>
    %reduce_sum3A_2 = vector.multi_reduction <add>, %convert_element_type3A, %reduce_sum3A [0] : vector<32x65536xf32> to vector<65536xf32>
    %reshape3A = vector.shape_cast %reduce_sum3A_2 : vector<65536xf32> to vector<512x128xf32>
    %iota3A = tpu.iota {dimensions = array<i32: 0>} : vector<128x128xi32>
    %iota3A_3 = tpu.iota {dimensions = array<i32: 1>} : vector<128x128xi32>
    %ge3A = arith.cmpi sge, %iota3A, %iota3A_3 : vector<128x128xi32>
    %convert_element_type3A_4 = arith.extui %ge3A : vector<128x128xi1> to vector<128x128xi32>
    %convert_element_type3A_5 = arith.sitofp %convert_element_type3A_4 : vector<128x128xi32> to vector<128x128xf32>
    %dot_general3A = arith.constant dense<0.000000e+00> : vector<512x128xf32>
    %dot_general3A_6 = tpu.matmul %reshape3A, %convert_element_type3A_5, %dot_general3A {dimension_numbers = #tpu.dot_dimension_numbers<[1], [0], [0], [1], [0, 0, 1, 1], [], []>, transpose_lhs_hint = false} : vector<512x128xf32>, vector<128x128xf32>, vector<512x128xf32> -> vector<512x128xf32>
    %slice3A = vector.extract_strided_slice %dot_general3A_6 {offsets = [0, 0], sizes = [512, 1], strides = [1, 1]} : vector<512x128xf32> to vector<512x1xf32>
    %squeeze3A = vector.shape_cast %slice3A : vector<512x1xf32> to vector<512xf32>
    %iota3A_7 = tpu.iota {dimensions = array<i32: 0>} : vector<512x512xi32>
    %iota3A_8 = tpu.iota {dimensions = array<i32: 1>} : vector<512x512xi32>
    %broadcast_in_dim3A = vector.shape_cast %squeeze3A : vector<512xf32> to vector<512x1xf32>
    %gt3A = arith.cmpi sgt, %iota3A_7, %iota3A_8 : vector<512x512xi32>
    %convert_element_type3A_9 = arith.extui %gt3A : vector<512x512xi1> to vector<512x512xi32>
    %convert_element_type3A_10 = arith.sitofp %convert_element_type3A_9 : vector<512x512xi32> to vector<512x512xf32>
    %mul3A = vector.broadcast %broadcast_in_dim3A : vector<512x1xf32> to vector<512x512xf32>
    %mul3A_11 = arith.mulf %mul3A, %convert_element_type3A_10 : vector<512x512xf32>
    %reduce_sum3A_12 = arith.constant dense<0.000000e+00> : vector<512xf32>
    %reduce_sum3A_13 = vector.multi_reduction <add>, %mul3A_11, %reduce_sum3A_12 [0] : vector<512x512xf32> to vector<512xf32>
    %broadcast_in_dim3A_14 = vector.shape_cast %reduce_sum3A_13 : vector<512xf32> to vector<512x1xf32>
    %add3A = vector.broadcast %broadcast_in_dim3A_14 : vector<512x1xf32> to vector<512x128xf32>
    %add3A_15 = arith.addf %dot_general3A_6, %add3A : vector<512x128xf32>
    %mul3A_16 = arith.constant 5.000000e-01 : f32
    %mul3A_17 = vector.broadcast %mul3A_16 : f32 to vector<512x128xf32>
    %mul3A_18 = arith.mulf %mul3A_17, %reshape3A : vector<512x128xf32>
    %sub3A = arith.subf %add3A_15, %mul3A_18 : vector<512x128xf32>
    %add3A_19 = arith.constant 5.000000e-01 : f32
    %add3A_20 = vector.broadcast %add3A_19 : f32 to vector<512x128xf32>
    %add3A_21 = arith.addf %sub3A, %add3A_20 : vector<512x128xf32>
    %max3A = arith.constant 1.000000e+00 : f32
    %max3A_22 = vector.broadcast %max3A : f32 to vector<512x128xf32>
    %max3A_23 = arith.maximumf %add3A_21, %max3A_22 : vector<512x128xf32>
    %log3A = math.log %max3A_23 : vector<512x128xf32>
    %sub3A_24 = arith.constant 17.7341442 : f32
    %sub3A_25 = vector.broadcast %sub3A_24 : f32 to vector<512x128xf32>
    %sub3A_26 = arith.subf %sub3A_25, %log3A : vector<512x128xf32>
    %max3A_27 = arith.constant 0.000000e+00 : f32
    %max3A_28 = vector.broadcast %max3A_27 : f32 to vector<512x128xf32>
    %max3A_29 = arith.maximumf %sub3A_26, %max3A_28 : vector<512x128xf32>
    %swap3A = arith.constant 0 : index
    %swap3A_30 = arith.constant 0 : index
    %swap3A_31 = vector.load %arg1[%swap3A, %swap3A_30] : memref<512x128xf32, #tpu.memory_space<vmem>>, vector<512x128xf32>
    tpu.vector_store %arg1[%swap3A, %swap3A_30], %max3A_29 {strides = array<i32>} : memref<512x128xf32, #tpu.memory_space<vmem>>, vector<512x128xf32>,
    return
  }
}

module attributes {stable_mosaic.version = 14 : i64} {
  func.func @_final_body(%arg0: i32, %arg1: i32, %arg2: memref<1x512x2048xf32, #tpu.memory_space<vmem>>, %arg3: memref<1x2048x64xf32, #tpu.memory_space<vmem>>, %arg4: memref<1x512x64xf32, #tpu.memory_space<vmem>>) attributes {dimension_semantics = [#tpu.dimension_semantics<arbitrary>, #tpu.dimension_semantics<arbitrary>], iteration_bounds = array<i64: 12, 4>, scalar_prefetch = 0 : i64, scratch_operands = 0 : i64, tpu.core_type = #tpu.core_type<tc>, window_params = [{transform_indices = @transform_0, window_bounds = array<i64: 1, 512, 2048>}, {transform_indices = @transform_1, window_bounds = array<i64: 1, 2048, 64>}, {transform_indices = @transform_2, window_bounds = array<i64: 1, 512, 64>}]} {
    %get3A = arith.constant 0 : index
    %get3A_0 = arith.constant 0 : index
    %get3A_1 = arith.constant 0 : index
    %get3A_2 = vector.load %arg2[%get3A, %get3A_0, %get3A_1] : memref<1x512x2048xf32, #tpu.memory_space<vmem>>, vector<1x512x2048xf32>
    %get3A_3 = vector.shape_cast %get3A_2 : vector<1x512x2048xf32> to vector<512x2048xf32>
    %abs3A = math.absf %get3A_3 : vector<512x2048xf32>
    %reduce_sum3A = arith.constant dense<0.000000e+00> : vector<512xf32>
    %reduce_sum3A_4 = vector.multi_reduction <add>, %abs3A, %reduce_sum3A [1] : vector<512x2048xf32> to vector<512xf32>
    %broadcast_in_dim3A = vector.shape_cast %reduce_sum3A_4 : vector<512xf32> to vector<512x1xf32>
    %div3A = vector.broadcast %broadcast_in_dim3A : vector<512x1xf32> to vector<512x2048xf32>
    %div3A_5 = arith.divf %get3A_3, %div3A : vector<512x2048xf32>
    %get3A_6 = arith.constant 0 : index
    %get3A_7 = arith.constant 0 : index
    %get3A_8 = arith.constant 0 : index
    %get3A_9 = vector.load %arg3[%get3A_6, %get3A_7, %get3A_8] : memref<1x2048x64xf32, #tpu.memory_space<vmem>>, vector<1x2048x64xf32>
    %get3A_10 = vector.shape_cast %get3A_9 : vector<1x2048x64xf32> to vector<2048x64xf32>
    %dot_general3A = arith.constant dense<0.000000e+00> : vector<512x64xf32>
    %dot_general3A_11 = tpu.matmul %div3A_5, %get3A_10, %dot_general3A {dimension_numbers = #tpu.dot_dimension_numbers<[1], [0], [0], [1], [0, 0, 1, 1], [], []>, transpose_lhs_hint = false} : vector<512x2048xf32>, vector<2048x64xf32>, vector<512x64xf32> -> vector<512x64xf32>
    %swap3A = arith.constant 0 : index
    %swap3A_12 = arith.constant 0 : index
    %swap3A_13 = arith.constant 0 : index
    %swap3A_14 = vector.load %arg4[%swap3A, %swap3A_12, %swap3A_13] : memref<1x512x64xf32, #tpu.memory_space<vmem>>, vector<1x512x64xf32>
    %swap3A_15 = vector.shape_cast %swap3A_14 : vector<1x512x64xf32> to vector<512x64xf32>
    %swap3A_16 = vector.shape_cast %dot_general3A_11 : vector<512x64xf32> to vector<1x512x64xf32>
    tpu.vector_store %arg4[%swap3A, %swap3A_12, %swap3A_13], %swap3A_16 {strides = array<i32>} : memref<1x512x64xf32, #tpu.memory_space<vmem>>, vector<1x512x64xf32>,
    return
  }
  func.func @transform_0(%arg0: i32, %arg1: i32) -> (i32, i32, i32) {
    %c0_i32 = arith.constant 0 : i32
    %c0_i32_0 = arith.constant 0 : i32
    return %arg0, %arg1, %c0_i32 : i32, i32, i32
  }
  func.func @transform_1(%arg0: i32, %arg1: i32) -> (i32, i32, i32) {
    %c0_i32 = arith.constant 0 : i32
    %c0_i32_0 = arith.constant 0 : i32
    %c0_i32_1 = arith.constant 0 : i32
    return %arg0, %c0_i32, %c0_i32_0 : i32, i32, i32
  }
  func.func @transform_2(%arg0: i32, %arg1: i32) -> (i32, i32, i32) {
    %c0_i32 = arith.constant 0 : i32
    %c0_i32_0 = arith.constant 0 : i32
    return %arg0, %arg1, %c0_i32 : i32, i32, i32
  }
}

</mosaic_0001>

<sc_bundles>
// kernel: kernel.10.cloned.1.call-start
scs
__scs_entry_jumppad:
0x0: {  	(pc) =	sbr.rel $0x88, $3  }
0x1: {  	(tag) =	ssettag $0x0;
	lr =	simm.s32 $0x1  }
0x2: {  	[smem:$0x3F9E] =	sst lr;
	_ =	strace $0xD0000000  }
0x3: {  	_ = 	snop  }
0x4: {  	_ = 	snop  }
0x5: {  	_ = 	snop  }
0x6: {  	_ = 	snop  }
0x7: {  	_ = 	snop  }
__scs_overlays_trampoline_lowered:
0x8: {  	[smem:$0x3FAD] =	sst s0  }
0x9: {  	[smem:$0x3FAE] =	sst s1  }
0xa: {  	[smem:$0x3FAF] =	sst s2  }
0xb: {  	[smem:$0x3FB0] =	sst s3  }
0xc: {  	[smem:$0x3FB1] =	sst s4  }
0xd: {  	[smem:$0x3FB2] =	sst s5  }
0xe: {  	[smem:$0x3FB3] =	sst s6  }
0xf: {  	[smem:$0x3FB4] =	sst s7  }
0x10: {  	[smem:$0x3FB5] =	sst s8  }
0x11: {  	[smem:$0x3FB6] =	sst s9;
	s0 =	simm.s32 @!p0 $0x0  }
0x12: {  	s1 =	sld [smem:$0x3F9C];
	s0 =	simm.s32 @p0 $0x1  }
0x13: {  	[smem:$0x3FB7] =	sst s0;
	s0 =	simm.s32 @!p1 $0x0  }
0x14: {  	s2 =	sld [smem:$0x3F9B];
	s0 =	simm.s32 @p1 $0x1  }
0x15: {  	[smem:$0x3FB8] =	sst s0;
	s0 =	simm.s32 @!p2 $0x0  }
0x16: {  	s3 =	sld [smem:$0x3FDB];
	s0 =	simm.s32 @p2 $0x1  }
0x17: {  	s4 =	simm.s32 $0x1BF5;
	[smem:$0x3FBA] =	sst s0  }
0x18: {  	s0 =	sld [smem:$0x3F9D];
	_ =	swait.ge [sflag:s4], $0x0  }
0x19: {  	s7 =	sld [smem:$0x3F9E]  }
0x1a: {  	s8 =	sadd.s32 $0xFFFFE003, lr  }
0x1b: {  	s9 =	sadd.s32 $0xFFFFFEF7, lr;
	s5 =	simm.s32 $0xFFFFFFFF;
	p2 =	slt.u32 s8, $0xFFFFF086  }
0x1c: {  	p1 =	slt.u32 s9, $0xF7A;
	s5 =	simm.s32 @!p2 $0x0  }
0x1d: {  	s5 =	simm.s32 @p1 $0x1;
	p0 =	seq.s32 s7, s2  }
0x1e: {  	s7 =	smul.u32 @!p0 $0xF7A, s2;
	p2 =	seq.s32 @!p0 s5, $0x0  }
0x1f: {  	s9 =	smul.u32 $0xF7A, s1;
	s8 =	simm.s32 @!p0 $0x1BF5;
	p2 =	por !p2, p0  }
0x20: {  	[sflag:s8] =	ssyncset.s32 @!p0 $0xFFFFF086;
	s6 =	sadd.s32 @!p0 s3, s7;
	s7 =	simm.s32 @!p0 $0x108  }
0x21: {  	s3 =	sadd.s32 s3, s9;
	s6 =	sadd.s32 @!p0 $0x88, s6;
	s7 =	simm.s32 @p2 $0x1082  }
0x22: {  	[simem:s7], [sflag:s8] =	dma.local @!p0 [hbm:s6], $0xF7A  }
0x23: {  	s9 =	sor.u32 $0xD0000000, s2;
	s6 =	simm.s32 $0x108;
	_ =	swait.ge @!p0 [sflag:s8], $0x0  }
0x24: {  	s3 =	sadd.s32 $0x88, s3;
	s6 =	simm.s32 @!p1 $0x1082;
	[sflag:s4] =	ssyncset.s32 $0xFFFFF086  }
0x25: {  	[simem:s6], [sflag:s4] =	dma.local [hbm:s3], $0xF7A  }
0x26: {  	[smem:$0x3F9E] =	sst s1;
	(tag) =	ssettag s2;
	_ =	strace s9  }
0x27: {  	s1 =	sld [smem:$0x3FAE]  }
0x28: {  	s2 =	sld [smem:$0x3FAF]  }
0x29: {  	s4 =	sld [smem:$0x3FB1]  }
0x2a: {  	p0 =	seq.s32 s5, $0x0;
	s5 =	sld [smem:$0x3FB2]  }
0x2b: {  	s6 =	sld [smem:$0x3FB3]  }
0x2c: {  	s7 =	sld [smem:$0x3FB4]  }
0x2d: {  	s3 =	simm.s32 $0x108;
	s8 =	sld [smem:$0x3FB5]  }
0x2e: {  	s3 =	simm.s32 @!p0 $0x1082;
	s9 =	sld [smem:$0x3FB6]  }
0x2f: {  	lr =	sadd.s32 s0, s3;
	s0 =	sld [smem:$0x3FAD]  }
0x30: {  	s3 =	sld [smem:$0x3FB0]  }
0x31: {  	[smem:$0x3FB9] =	sst s10  }
0x32: {  	s10 =	sld [smem:$0x3FB7];
	_ =	sdelay $0x3  }
0x33: {  	p0 =	seq.s32 s10, $0x1;
	s10 =	sld [smem:$0x3FB9];
	_ =	sdelay $0x3  }
0x34: {  	[smem:$0x3FB9] =	sst s10  }
0x35: {  	s10 =	sld [smem:$0x3FB8];
	_ =	sdelay $0x3  }
0x36: {  	p1 =	seq.s32 s10, $0x1;
	s10 =	sld [smem:$0x3FB9];
	_ =	sdelay $0x3  }
0x37: {  	[smem:$0x3FB9] =	sst s10  }
0x38: {  	s10 =	sld [smem:$0x3FBA]  }
0x39: {  	_ = 	snop;
	(pc) =	sbr.ind lr, $3  }
0x3a: {  	_ = 	snop  }
0x3b: {  	_ = 	snop  }
0x3c: {  	p2 =	seq.s32 s10, $0x1;
	s10 =	sld [smem:$0x3FB9]  }
0x3d: {  	_ =	shalt  }
0x3e: {  	_ =	shalt  }
0x3f: {  	_ =	shalt  }
0x40: {  	_ =	shalt  }
0x41: {  	_ =	shalt  }
0x42: {  	_ =	shalt  }
0x43: {  	_ =	shalt  }
0x44: {  	_ =	shalt  }
0x45: {  	_ =	shalt  }
0x46: {  	_ =	shalt  }
0x47: {  	_ =	shalt  }
0x48: {  	_ =	shalt  }
0x49: {  	_ =	shalt  }
0x4a: {  	_ =	shalt  }
0x4b: {  	_ =	shalt  }
0x4c: {  	_ =	shalt  }
0x4d: {  	_ =	shalt  }
0x4e: {  	_ =	shalt  }
0x4f: {  	_ =	shalt  }
0x50: {  	_ =	shalt  }
0x51: {  	_ =	shalt  }
0x52: {  	_ =	shalt  }
0x53: {  	_ =	shalt  }
0x54: {  	_ =	shalt  }
0x55: {  	_ =	shalt  }
0x56: {  	_ =	shalt  }
0x57: {  	_ =	shalt  }
0x58: {  	_ =	shalt  }
0x59: {  	_ =	shalt  }
0x5a: {  	_ =	shalt  }
0x5b: {  	_ =	shalt  }
0x5c: {  	_ =	shalt  }
0x5d: {  	_ =	shalt  }
0x5e: {  	_ =	shalt  }
0x5f: {  	_ =	shalt  }
0x60: {  	_ =	shalt  }
0x61: {  	_ =	shalt  }
0x62: {  	_ =	shalt  }
0x63: {  	_ =	shalt  }
0x64: {  	_ =	shalt  }
0x65: {  	_ =	shalt  }
0x66: {  	_ =	shalt  }
0x67: {  	_ =	shalt  }
0x68: {  	_ =	shalt  }
0x69: {  	_ =	shalt  }
0x6a: {  	_ =	shalt  }
0x6b: {  	_ =	shalt  }
0x6c: {  	_ =	shalt  }
0x6d: {  	_ =	shalt  }
0x6e: {  	_ =	shalt  }
0x6f: {  	_ =	shalt  }
0x70: {  	_ =	shalt  }
0x71: {  	_ =	shalt  }
0x72: {  	_ =	shalt  }
0x73: {  	_ =	shalt  }
0x74: {  	_ =	shalt  }
0x75: {  	_ =	shalt  }
0x76: {  	_ =	shalt  }
0x77: {  	_ =	shalt  }
0x78: {  	_ =	shalt  }
0x79: {  	_ =	shalt  }
0x7a: {  	_ =	shalt  }
0x7b: {  	_ =	shalt  }
0x7c: {  	_ =	shalt  }
0x7d: {  	_ =	shalt  }
0x7e: {  	_ =	shalt  }
0x7f: {  	_ =	shalt  }
0x80: {  	_ =	shalt  }
0x81: {  	_ =	shalt  }
0x82: {  	_ =	shalt  }
0x83: {  	_ =	shalt  }
0x84: {  	_ =	shalt  }
0x85: {  	_ =	shalt  }
0x86: {  	_ =	shalt  }
0x87: {  	_ =	shalt  }
.Lfunc_end0:
.L_simem_size_0:
called_computation.2_lowered:
.L_overlay_start_0:
0x88: {  	s2 =	sld [smem:$0x3FD9]  }
0x89: {  	s3 =	sld [smem:$0x3FFE];
	_ =	sdelay $0x1  }
0x8a: {  	s1 =	srdreg.scid  }
0x8b: {  	s0 =	sand.u32 $0x1, s1  }
0x8c: {  	s17 =	sshll.u32 s0, $0xA;
	s2 =	sadd.s32 s3, s2  }
0x8d: {  	s2 =	sadd.s32 s2, s17  }
0x8e: {  	[smem:$0x3FC5] =	sst s2  }
0x8f: {  	_ = 	snop  }
0x90: {  	s2 =	sld [smem:$0x3FD0];
	(tm) =	ssettm $0x1  }
0x91: {  	s18 =	sld [smem:$0x3FFB];
	_ =	sdelay $0x3  }
0x92: {  	_ =	strace s18  }
0x93: {  	s3 =	sld [smem:$0x3FFC];
	_ =	sdelay $0x3  }
0x94: {  	_ =	strace s3  }
0x95: {  	s3 =	sld [smem:$0x3FFD];
	_ =	sdelay $0x3  }
0x96: {  	_ =	strace s3  }
0x97: {  	_ =	strace $0x8FFFFFFF  }
0x98: {  	s19 =	sld [smem:$0x3FDB];
	_ =	sdelay $0x1  }
0x99: {  	s4 =	simm.s32 $_scs_section_size  }
0x9a: {  	s5 =	simm.s32 $_size__tile_overlayer_lowered;
	s6 =	simm.s32 $_tile_overlayer_lowered  }
0x9b: {  	s22 =	simm.s32 $0x1BFF;
	s21 =	sshll.u32 s6, $0x1;
	s3 =	sadd.s32 s4, s19  }
0x9c: {  	s7 =	simm.s32 $0x0;
	s20 =	sshll.u32 s5, $0x1;
	s5 =	sadd.s32 s21, s3  }
0x9d: {  	[timem:s7], [sflag:s22] =	dma.local [hbm:s5], s20  }
0x9e: {  	_ =	swait.ge [sflag:s22], s20  }
0x9f: {  	s4 =	ssub.s32 $0x0, s20;
	[sflag:s22] =	ssyncset.done $0x0  }
0xa0: {  	[sflag:s22] =	ssyncadd.s32 s4;
	_ =	sdelay $0x1  }
0xa1: {  	s23 =	simm.s32 $0x1B8B  }
0xa2: {  	_ =	swait.ge [sflag:s23], $0x1  }
0xa3: {  	[sflag:s23] =	ssyncset.done $0x0  }
0xa4: {  	s25 =	simm.s32 $0x1B8E;
	s24 =	sld [smem:$0x3FFE];
	[sflag:s23] =	ssyncadd.s32 $0xFFFFFFFF  }
0xa5: {  	s26 =	simm.s32 $execute0_lowered;
	[smem:$0x3FD2] =	sst s25  }
0xa6: {  	s5 =	sshll.u32 s26, $0x1;
	_ =	strace $0x8000004C;
	[dreg:$0x1] =	wrdreg $0xFFFFFFFF  }
0xa7: {  	s28 =	simm.s32 $_size_execute0_lowered;
	s3 =	sadd.s32 s3, s5;
	[dreg:$0x0] =	wrdreg $0x0  }
0xa8: {  	s5 =	sshll.u32 s28, $0x1;
	[dreg:$0x2] =	wrdreg s3  }
0xa9: {  	[dreg:$0x3] =	wrdreg s5  }
0xaa: {  	[dreg:$0x4] =	wrdreg $0xC0  }
0xab: {  	_ =	task [dreg:s7], $0x5FFFF  }
0xac: {  	[dreg:$0x1] =	wrdreg $0xFFFFFFFF  }
0xad: {  	[dreg:$0x0] =	wrdreg $0x60  }
0xae: {  	[dreg:$0x2] =	wrdreg s24  }
0xaf: {  	[dreg:$0x3] =	wrdreg s2  }
0xb0: {  	[dreg:$0x4] =	wrdreg $0x9  }
0xb1: {  	_ =	task.clear_ibuf [dreg:s7], $0x5FFFF;
	_ =	strace $0x9000004C  }
0xb2: {  	s29 =	simm.s32 $0x9;
	_ =	strace $0x8000004E  }
0xb3: {  	_ =	swait.ge [sflag:s29], $0x1  }
0xb4: {  	[sflag:s29] =	ssyncadd.s32 $0xFFFFFFFF  }
0xb5: {  	_ =	strace $0x9000004E  }
0xb6: {  	_ =	sfence  }
0xb7: {  	s30 =	sld [smem:$0x0];
	_ =	sdelay $0x2  }
0xb8: {  	s31 =	sshll.u32 s1, $0xD;
	s1 =	sshrl.u32 s1, $0x2  }
0xb9: {  	s3 =	sand.u32 $0x4000, s31;
	s1 =	sadd.s32 s1, s30  }
0xba: {  	s0 =	sor.u32 s3, s0;
	s1 =	sshll.u32 s1, $0x11  }
0xbb: {  	s0 =	sor.u32 s1, s0  }
0xbc: {  	s0 =	sadd.s32 $0x8F2B, s0  }
0xbd: {  	[sflag:s0] =	ssyncadd.remote.s32 $0x1  }
0xbe: {  	_ =	sfence.sel $0xFFFF  }
0xbf: {  	[dreg:$0x0] =	wrdreg $0xFFFFFFFF;
	(pc) =	sbr.abs _section_cstart, $3  }
0xc0: {  	[dreg:$0x1] =	wrdreg $0xFFFFFFFF  }
0xc1: {  	_ =	task.clear_ibuf [dreg:s7], $0x2FFFF;
	_ =	strace $0x9FFFFFFF  }
0xc2: {  	(tm) =	ssettm $0x7FFFFFFF  }
0xc3: {  	_ =	shalt  }
tec
execute0_lowered:
.L_overlay_start_1:
0x0: {  	(tag) =	ssettag $0x1  }
0x1: {  	s6 =	rddreg [dreg:$0x0];
	s1 =	srdreg.scid  }
0x2: {  	s0 =	stileid.u32;
	s2 =	rddreg [dreg:$0x1];
	s3 =	simm.s32 $0x0  }
0x3: {  	s11 =	simm.s32 $0x5;
	s12 =	simm.s32 $0x10000;
	s13 =	simm.s32 $0x12000  }
0x4: {  	s14 =	simm.s32 $0x1;
	s15 =	simm.s32 $0x14000;
	s16 =	simm.s32 $0x2  }
0x5: {  	s17 =	simm.s32 $0x4;
	s18 =	simm.s32 $0x16000;
	s19 =	simm.s32 $0x3  }
0x6: {  	s7 =	sand.u32 $0x1, s1;
	s4 =	sshll.u32 s0, $0x1;
	s1 =	rddreg [dreg:$0x2]  }
0x7: {  	s20 =	simm.s32 $0x0;
	[smem:$0x7FF] =	sst s3;
	s4 =	sor.u32 s7, s4  }
0x8: {  	s5 =	sadd.s32 $0x661A00, s6;
	s7 =	ssub.s32 $0x2, s7;
	s4 =	smul.u32 $0x180000, s4  }
0x9: {  	s6 =	sadd.s32 $0x1A00, s6;
	_ =	strace $0x8000004D;
	s8 =	sshrl.u32 s7, $0x1  }
0xa: {  	s10 =	ssub.s32 s7, s8;
	s9 =	sshrl.u32 s4, $0x3;
	s8 =	sor.u32 $0x2000, s4  }
0xb: {  	s10 =	smax.u32 s10, $0x1;
	s7 =	sadd.s32 s5, s9;
	s9 =	sor.u32 $0x4000, s4  }
.LBB2_1:
0xc: {  	[tilespmem:s3], [sflag:$0x5] =	stream.linear.gather [hbm4b:s2+s3], $0x10000, $0x38;
	[tilespmem:$0x18000] =	vst v63  }
0xd: {  	_ =	swait.ge [sflag:s11], $0x10000  }
0xe: {  	[sflag:s11] =	ssyncset.done $0x0  }
0xf: {  	s21 =	simm.s32 $0x0;
	[sflag:s11] =	ssyncadd.s32 $0xFFFF0000  }
0x10: {  	[tilespmem:s12], [sflag:$0x1] =	stream.linear.gather [hbm4b:s7+s3], $0x2000, $0x38;
	[tilespmem:$0x18000] =	vst v63  }
.LBB2_2:
0x11: {  	s23 =	sshll.u32 s21, $0xE  }
0x12: {  	s22 =	sadd.s32 s23, s8  }
0x13: {  	s22 =	sshrl.u32 s22, $0x3  }
0x14: {  	s24 =	sadd.s32 s5, s22  }
0x15: {  	[tilespmem:s13], [sflag:$0x2] =	stream.linear.gather [hbm4b:s24+s3], $0x2000, $0x38;
	[tilespmem:$0x18000] =	vst v63  }
0x16: {  	_ =	swait.ge [sflag:s14], $0x2000  }
0x17: {  	p0 =	seq.s32 s21, $0x0;
	[sflag:s14] =	ssyncset.done $0x0  }
0x18: {  	s24 =	simm.s32 @!p0 $0x3;
	[sflag:s14] =	ssyncadd.s32 $0xFFFFE000  }
0x19: {  	_ =	swait.ge @!p0 [sflag:s24], $0x2000  }
0x1a: {  	[sflag:s24] =	ssyncset.done @!p0 $0x0  }
0x1b: {  	s30 =	simm.s32 $0x10040;
	[sflag:s24] =	ssyncadd.s32 @!p0 $0xFFFFE000  }
0x1c: {  	v0 =	vld [tilespmem:s30+$0x30]  }
0x1d: {  	v1 =	vld [tilespmem:s30+$0xFFFFFFD0]  }
0x1e: {  	v3 =	vld [tilespmem:s30+$0xFFFFFFE0]  }
0x1f: {  	v5 =	vld [tilespmem:s30+$0xFFFFFFF0];
	_ =	sdelay $0x1  }
0x20: {  	v2 =	vshrl.u32 v0, $0xE  }
0x21: {  	v4 =	vshrl.u32 v1, $0xE;
	v2 =	vand.u32 $0x1FFFF, v2  }
0x22: {  	v7 =	vld [tilespmem:s30+$0x0];
	v6 =	vshrl.u32 v3, $0xE;
	v4 =	vand.u32 $0x1FFFF, v4;
	v2 =	vmin.u32 v2, $0xFFFF  }
0x23: {  	v9 =	vld [tilespmem:s30+$0x10];
	v8 =	vshrl.u32 v5, $0xE;
	v6 =	vand.u32 $0x1FFFF, v6;
	v4 =	vmin.u32 v4, $0xFFFF  }
0x24: {  	v11 =	vld [tilespmem:s30+$0xFFFFFFC0];
	v8 =	vand.u32 $0x1FFFF, v8;
	v6 =	vmin.u32 v6, $0xFFFF  }
0x25: {  	s31 =	simm.s32 $0x100C0;
	v10 =	vld [tilespmem:s30+$0x20];
	v8 =	vmin.u32 v8, $0xFFFF  }
0x26: {  	v20 =	vld [tilespmem:s31+$0xFFFFFFE0]  }
0x27: {  	v12 =	vld.idx.msk [tilespmem:v2+s3+$0x0], $0xffff  }
0x28: {  	v14 =	vand.u32 $0x80000000, v1;
	v13 =	vld.idx.msk [tilespmem:v4+s3+$0x0], $0xffff  }
0x29: {  	v16 =	vshrl.u32 v11, $0xE;
	v19 =	vand.u32 $0x80000000, v3;
	v2 =	vshrl.u32 v7, $0xE;
	v6 =	vld.idx.msk [tilespmem:v6+s3+$0x0], $0xffff  }
0x2a: {  	v16 =	vand.u32 $0x1FFFF, v16;
	v8 =	vld.idx.msk [tilespmem:v8+s3+$0x0], $0xffff;
	v1 =	vand.u32 $0x1FFFF, v2;
	v2 =	vshrl.u32 v9, $0xE  }
0x2b: {  	v4 =	vld [tilespmem:s31+$0x30];
	v15 =	vmin.u32 v1, $0xFFFF;
	v1 =	vand.u32 $0x1FFFF, v2;
	v2 =	vshrl.u32 v10, $0xE  }
0x2c: {  	v17 =	vmin.u32 v1, $0xFFFF;
	v1 =	vand.u32 $0x1FFFF, v2;
	v2 =	vand.u32 $0x80000000, v11;
	v11 =	vld [tilespmem:s31+$0xFFFFFFD0]  }
0x2d: {  	v5 =	vand.u32 $0x80000000, v5;
	v3 =	vand.u32 $0x80000000, v7;
	v16 =	vmin.u32 v16, $0xFFFF  }
0x2e: {  	v21 =	vld [tilespmem:s31+$0xFFFFFFF0];
	v7 =	vand.u32 $0x80000000, v0;
	v0 =	vand.u32 $0x80000000, v10;
	v10 =	vshrl.u32 v20, $0xE  }
0x2f: {  	v24 =	vld [tilespmem:s31+$0x10];
	v18 =	vmin.u32 v1, $0xFFFF;
	v1 =	vand.u32 $0x80000000, v9;
	v7 =	vor.u32 v12, v7  }
0x30: {  	v22 =	vld [tilespmem:s31+$0x0];
	v9 =	vor.u32 v13, v14;
	v14 =	vor.u32 v6, v19;
	v6 =	vshrl.u32 v4, $0xE  }
0x31: {  	v25 =	vld [tilespmem:s31+$0x20];
	v19 =	vor.u32 v8, v5;
	v6 =	vand.u32 $0x1FFFF, v6;
	v8 =	vshrl.u32 v11, $0xE  }
0x32: {  	v23 =	vld [tilespmem:s31+$0xFFFFFFC0];
	v26 =	vmin.u32 v6, $0xFFFF;
	v6 =	vand.u32 $0x1FFFF, v10;
	v8 =	vand.u32 $0x1FFFF, v8  }
0x33: {  	v10 =	vld.idx.msk [tilespmem:v16+s3+$0x0], $0xffff;
	v5 =	vand.u32 $0x80000000, v11;
	v11 =	vshrl.u32 v21, $0xE;
	v8 =	vmin.u32 v8, $0xFFFF  }
0x34: {  	v12 =	vshrl.u32 v24, $0xE;
	v13 =	vld.idx.msk [tilespmem:v15+s3+$0x0], $0xffff;
	v27 =	vmin.u32 v6, $0xFFFF;
	v6 =	vand.u32 $0x1FFFF, v11  }
0x35: {  	s25 =	simm.s32 $0x14040;
	v15 =	vand.u32 $0x1FFFF, v12;
	v11 =	vshrl.u32 v22, $0xE;
	v12 =	vld.idx.msk [tilespmem:v18+s3+$0x0], $0xffff;
	v28 =	vmin.u32 v6, $0xFFFF  }
0x36: {  	v20 =	vand.u32 $0x80000000, v20;
	[tilespmem:s25+$0x30] =	vst v7;
	v16 =	vshrl.u32 v25, $0xE;
	v6 =	vand.u32 $0x1FFFF, v11;
	v11 =	vld.idx.msk [tilespmem:v17+s3+$0x0], $0xffff  }
0x37: {  	[tilespmem:s25+$0xFFFFFFE0] =	vst v14;
	v14 =	vand.u32 $0x80000000, v21;
	v18 =	vand.u32 $0x1FFFF, v16;
	v17 =	vshrl.u32 v23, $0xE;
	v16 =	vld.idx.msk [tilespmem:v26+s3+$0x0], $0xffff  }
0x38: {  	[tilespmem:s25+$0xFFFFFFD0] =	vst v9;
	v7 =	vmin.u32 v15, $0xFFFF;
	v15 =	vand.u32 $0x80000000, v23;
	v9 =	vand.u32 $0x1FFFF, v17;
	v17 =	vld.idx.msk [tilespmem:v8+s3+$0x0], $0xffff  }
0x39: {  	s28 =	simm.s32 $0x8;
	v21 =	vand.u32 $0x80000000, v25;
	v23 =	vand.u32 $0x80000000, v22;
	v8 =	vmin.u32 v18, $0xFFFF;
	v18 =	vld.idx.msk [tilespmem:v27+s3+$0x0], $0xffff  }
0x3a: {  	s29 =	simm.s32 $0x10140;
	s26 =	simm.s32 $0x14040;
	s24 =	sadd.s32 s4, s23;
	[tilespmem:s25+$0xFFFFFFF0] =	vst v19;
	v22 =	vand.u32 $0x80000000, v24;
	v6 =	vmin.u32 v6, $0xFFFF;
	v9 =	vmin.u32 v9, $0xFFFF;
	v19 =	vld.idx.msk [tilespmem:v28+s3+$0x0], $0xffff  }
.LBB2_3:
0x3b: {  	v24 =	vld [tilespmem:s29+$0x30];
	s28 =	sadd.s32 $0x8, s28;
	v10 =	vor.u32 v10, v2;
	v13 =	vor.u32 v13, v3;
	v11 =	vor.u32 v11, v1;
	v2 =	vmovc v15  }
0x3c: {  	v4 =	vand.u32 $0x80000000, v4;
	v12 =	vor.u32 v12, v0;
	v3 =	vmovc v23;
	v1 =	vmovc v22;
	v0 =	vmov v21;
	v15 =	vld [tilespmem:s29+$0xFFFFFFD0];
	p1 =	slt.u32 s28, $0x1F8;
	[tilespmem:s25+$0xFFFFFFC0] =	vst v10  }
0x3d: {  	v4 =	vor.u32 v16, v4;
	s25 =	sadd.s32 $0x80, s25;
	v21 =	vld [tilespmem:s29+$0xFFFFFFE0];
	[tilespmem:s26+$0x0] =	vst v13  }
0x3e: {  	v5 =	vor.u32 v17, v5;
	v22 =	vld [tilespmem:s29+$0xFFFFFFF0];
	[tilespmem:s25+$0x30] =	vst v4  }
0x3f: {  	v23 =	vld [tilespmem:s29+$0x0];
	[tilespmem:s25+$0xFFFFFFD0] =	vst v5;
	v5 =	vor.u32 v18, v20  }
0x40: {  	v13 =	vor.u32 v19, v14;
	v25 =	vld [tilespmem:s29+$0x10];
	v10 =	vshrl.u32 v24, $0xE;
	[tilespmem:s25+$0xFFFFFFE0] =	vst v5;
	v4 =	vmov v24  }
0x41: {  	v14 =	vshrl.u32 v15, $0xE;
	v5 =	vand.u32 $0x80000000, v15;
	v24 =	vld [tilespmem:s29+$0x20];
	v10 =	vand.u32 $0x1FFFF, v10;
	[tilespmem:s25+$0xFFFFFFF0] =	vst v13  }
0x42: {  	v15 =	vld [tilespmem:s29+$0xFFFFFFC0];
	v13 =	vand.u32 $0x1FFFF, v14;
	v14 =	vshrl.u32 v21, $0xE;
	v16 =	vmin.u32 v10, $0xFFFF;
	[tilespmem:s26+$0x10] =	vst v11  }
0x43: {  	v17 =	vmin.u32 v13, $0xFFFF;
	v11 =	vand.u32 $0x1FFFF, v14;
	v13 =	vshrl.u32 v22, $0xE;
	v10 =	vld.idx.msk [tilespmem:v9+s3+$0x0], $0xffff;
	[tilespmem:s26+$0x20] =	vst v12;
	s26 =	smov.u32 s25  }
0x44: {  	v14 =	vmin.u32 v11, $0xFFFF;
	v9 =	vand.u32 $0x1FFFF, v13;
	v11 =	vshrl.u32 v23, $0xE;
	v13 =	vld.idx.msk [tilespmem:v6+s3+$0x0], $0xffff  }
0x45: {  	v19 =	vmin.u32 v9, $0xFFFF;
	v6 =	vand.u32 $0x1FFFF, v11;
	v9 =	vshrl.u32 v25, $0xE;
	v11 =	vld.idx.msk [tilespmem:v7+s3+$0x0], $0xffff  }
.Ltmp0:
0x46: {  	v6 =	vmin.u32 v6, $0xFFFF;
	v7 =	vand.u32 $0x1FFFF, v9;
	v9 =	vshrl.u32 v24, $0xE;
	v12 =	vld.idx.msk [tilespmem:v8+s3+$0x0], $0xffff;
	(pc) =	sbr.rel @p1 .LBB2_3-.Ltmp0, $4  }
0x47: {  	v8 =	vshrl.u32 v15, $0xE;
	v7 =	vmin.u32 v7, $0xFFFF;
	v9 =	vand.u32 $0x1FFFF, v9;
	v16 =	vld.idx.msk [tilespmem:v16+s3+$0x0], $0xffff  }
0x48: {  	v15 =	vand.u32 $0x80000000, v15;
	v18 =	vand.u32 $0x1FFFF, v8;
	v17 =	vld.idx.msk [tilespmem:v17+s3+$0x0], $0xffff;
	v8 =	vmin.u32 v9, $0xFFFF  }
0x49: {  	v20 =	vand.u32 $0x80000000, v21;
	v9 =	vmin.u32 v18, $0xFFFF;
	v18 =	vld.idx.msk [tilespmem:v14+s3+$0x0], $0xffff;
	v14 =	vand.u32 $0x80000000, v22  }
0x4a: {  	s29 =	sadd.s32 $0x80, s29;
	v23 =	vand.u32 $0x80000000, v23;
	v21 =	vand.u32 $0x80000000, v24;
	v22 =	vand.u32 $0x80000000, v25;
	v19 =	vld.idx.msk [tilespmem:v19+s3+$0x0], $0xffff  }
0x4b: {  	_ = 	snop  }
0x4c: {  	v2 =	vor.u32 v10, v2  }
0x4d: {  	v3 =	vor.u32 v13, v3;
	[tilespmem:s25+$0xFFFFFFC0] =	vst v2  }
0x4e: {  	v1 =	vor.u32 v11, v1;
	[tilespmem:s26+$0x0] =	vst v3  }
0x4f: {  	v4 =	vand.u32 $0x80000000, v4;
	v54 =	vld.idx.msk [tilespmem:v9+s3+$0x0], $0xffff;
	v0 =	vor.u32 v12, v0;
	[tilespmem:s26+$0x10] =	vst v1  }
0x50: {  	s31 =	sadd.s32 $0x80, s25;
	v56 =	vld.idx.msk [tilespmem:v6+s3+$0x0], $0xffff;
	v52 =	vor.u32 v16, v4;
	[tilespmem:s26+$0x20] =	vst v0  }
0x51: {  	v58 =	vld.idx.msk [tilespmem:v7+s3+$0x0], $0xffff;
	v53 =	vor.u32 v17, v5;
	[tilespmem:s31+$0x30] =	vst v52  }
0x52: {  	v59 =	vld.idx.msk [tilespmem:v8+s3+$0x0], $0xffff;
	[tilespmem:s31+$0xFFFFFFD0] =	vst v53;
	v55 =	vor.u32 v18, v20  }
0x53: {  	[tilespmem:s31+$0xFFFFFFE0] =	vst v55;
	v57 =	vor.u32 v19, v14  }
0x54: {  	p1 =	sne.s32 s21, $0x5F;
	[tilespmem:s31+$0xFFFFFFF0] =	vst v57;
	v60 =	vor.u32 v54, v15  }
.Ltmp1:
0x55: {  	v61 =	vor.u32 v56, v23;
	[tilespmem:s31+$0xFFFFFFC0] =	vst v60;
	(pc) =	sbr.rel @p1 .LBB2_6-.Ltmp1, $4  }
0x56: {  	v62 =	vor.u32 v58, v22;
	[tilespmem:s31+$0x0] =	vst v61  }
0x57: {  	s24 =	sshrl.u32 s24, $0x3;
	v63 =	vor.u32 v59, v21;
	[tilespmem:s31+$0x10] =	vst v62  }
0x58: {  	s24 =	sadd.s32 s6, s24;
	[tilespmem:s31+$0x20] =	vst v63  }
0x59: {  	[hbm4b:s24+s3] =	stream.linear.scatter [tilespmem:s15], [sflag:$0x3], $0x2000, $0x38;
	[tilespmem:$0x18000] =	vst v63  }
.Ltmp2:
0x5a: {  	(pc) =	sbr.rel .LBB2_7-.Ltmp2, $4  }
0x5b: {  	_ = 	snop  }
0x5c: {  	_ =	swait.ge [sflag:s16], $0x2000  }
0x5d: {  	[sflag:s16] =	ssyncset.done $0x0  }
0x5e: {  	[sflag:s16] =	ssyncadd.s32 $0xFFFFE000  }
.LBB2_6:
0x5f: {  	s23 =	sadd.s32 s23, s9  }
0x60: {  	s23 =	sshrl.u32 s23, $0x3  }
.Ltmp3:
0x61: {  	s23 =	sadd.s32 s5, s23;
	(pc) =	sbr.rel @p0 .LBB2_8-.Ltmp3, $4  }
0x62: {  	[tilespmem:s12], [sflag:$0x1] =	stream.linear.gather [hbm4b:s23+s3], $0x2000, $0x38;
	[tilespmem:$0x18000] =	vst v63  }
0x63: {  	_ =	swait.ge [sflag:s16], $0x2000  }
0x64: {  	[sflag:s16] =	ssyncset.done $0x0  }
0x65: {  	[sflag:s16] =	ssyncadd.s32 $0xFFFFE000  }
.LBB2_7:
0x66: {  	_ =	swait.ge [sflag:s17], $0x2000  }
0x67: {  	[sflag:s17] =	ssyncset.done $0x0  }
0x68: {  	[sflag:s17] =	ssyncadd.s32 $0xFFFFE000  }
.LBB2_8:
0x69: {  	s23 =	simm.s32 $0x12040  }
0x6a: {  	v0 =	vld [tilespmem:s23+$0x30]  }
0x6b: {  	v1 =	vld [tilespmem:s23+$0xFFFFFFD0]  }
0x6c: {  	v3 =	vld [tilespmem:s23+$0xFFFFFFE0]  }
0x6d: {  	v5 =	vld [tilespmem:s23+$0xFFFFFFF0];
	_ =	sdelay $0x1  }
0x6e: {  	v2 =	vshrl.u32 v0, $0xE  }
0x6f: {  	v4 =	vshrl.u32 v1, $0xE;
	v2 =	vand.u32 $0x1FFFF, v2  }
0x70: {  	v7 =	vld [tilespmem:s23+$0x0];
	v6 =	vshrl.u32 v3, $0xE;
	v4 =	vand.u32 $0x1FFFF, v4;
	v2 =	vmin.u32 v2, $0xFFFF  }
0x71: {  	v9 =	vld [tilespmem:s23+$0x10];
	v8 =	vshrl.u32 v5, $0xE;
	v6 =	vand.u32 $0x1FFFF, v6;
	v4 =	vmin.u32 v4, $0xFFFF  }
0x72: {  	v11 =	vld [tilespmem:s23+$0xFFFFFFC0];
	v8 =	vand.u32 $0x1FFFF, v8;
	v6 =	vmin.u32 v6, $0xFFFF  }
0x73: {  	s31 =	simm.s32 $0x120C0;
	v10 =	vld [tilespmem:s23+$0x20];
	v8 =	vmin.u32 v8, $0xFFFF  }
0x74: {  	v20 =	vld [tilespmem:s31+$0xFFFFFFE0]  }
0x75: {  	v12 =	vld.idx.msk [tilespmem:v2+s3+$0x0], $0xffff  }
0x76: {  	v14 =	vand.u32 $0x80000000, v1;
	v13 =	vld.idx.msk [tilespmem:v4+s3+$0x0], $0xffff  }
0x77: {  	v16 =	vshrl.u32 v11, $0xE;
	v19 =	vand.u32 $0x80000000, v3;
	v2 =	vshrl.u32 v7, $0xE;
	v6 =	vld.idx.msk [tilespmem:v6+s3+$0x0], $0xffff  }
0x78: {  	v16 =	vand.u32 $0x1FFFF, v16;
	v8 =	vld.idx.msk [tilespmem:v8+s3+$0x0], $0xffff;
	v1 =	vand.u32 $0x1FFFF, v2;
	v2 =	vshrl.u32 v9, $0xE  }
0x79: {  	v4 =	vld [tilespmem:s31+$0x30];
	v15 =	vmin.u32 v1, $0xFFFF;
	v1 =	vand.u32 $0x1FFFF, v2;
	v2 =	vshrl.u32 v10, $0xE  }
0x7a: {  	v17 =	vmin.u32 v1, $0xFFFF;
	v1 =	vand.u32 $0x1FFFF, v2;
	v2 =	vand.u32 $0x80000000, v11;
	v11 =	vld [tilespmem:s31+$0xFFFFFFD0]  }
0x7b: {  	v5 =	vand.u32 $0x80000000, v5;
	v3 =	vand.u32 $0x80000000, v7;
	v16 =	vmin.u32 v16, $0xFFFF  }
0x7c: {  	v21 =	vld [tilespmem:s31+$0xFFFFFFF0];
	v7 =	vand.u32 $0x80000000, v0;
	v0 =	vand.u32 $0x80000000, v10;
	v10 =	vshrl.u32 v20, $0xE  }
0x7d: {  	v24 =	vld [tilespmem:s31+$0x10];
	v18 =	vmin.u32 v1, $0xFFFF;
	v1 =	vand.u32 $0x80000000, v9;
	v7 =	vor.u32 v12, v7  }
0x7e: {  	v22 =	vld [tilespmem:s31+$0x0];
	v9 =	vor.u32 v13, v14;
	v14 =	vor.u32 v6, v19;
	v6 =	vshrl.u32 v4, $0xE  }
0x7f: {  	v25 =	vld [tilespmem:s31+$0x20];
	v19 =	vor.u32 v8, v5;
	v6 =	vand.u32 $0x1FFFF, v6;
	v8 =	vshrl.u32 v11, $0xE  }
0x80: {  	v23 =	vld [tilespmem:s31+$0xFFFFFFC0];
	v26 =	vmin.u32 v6, $0xFFFF;
	v6 =	vand.u32 $0x1FFFF, v10;
	v8 =	vand.u32 $0x1FFFF, v8  }
0x81: {  	v10 =	vld.idx.msk [tilespmem:v16+s3+$0x0], $0xffff;
	v5 =	vand.u32 $0x80000000, v11;
	v11 =	vshrl.u32 v21, $0xE;
	v8 =	vmin.u32 v8, $0xFFFF  }
0x82: {  	v12 =	vshrl.u32 v24, $0xE;
	v13 =	vld.idx.msk [tilespmem:v15+s3+$0x0], $0xffff;
	v27 =	vmin.u32 v6, $0xFFFF;
	v6 =	vand.u32 $0x1FFFF, v11  }
0x83: {  	s23 =	simm.s32 $0x16040;
	v15 =	vand.u32 $0x1FFFF, v12;
	v11 =	vshrl.u32 v22, $0xE;
	v12 =	vld.idx.msk [tilespmem:v18+s3+$0x0], $0xffff;
	v28 =	vmin.u32 v6, $0xFFFF  }
0x84: {  	v20 =	vand.u32 $0x80000000, v20;
	[tilespmem:s23+$0x30] =	vst v7;
	v16 =	vshrl.u32 v25, $0xE;
	v6 =	vand.u32 $0x1FFFF, v11;
	v11 =	vld.idx.msk [tilespmem:v17+s3+$0x0], $0xffff  }
0x85: {  	[tilespmem:s23+$0xFFFFFFE0] =	vst v14;
	v14 =	vand.u32 $0x80000000, v21;
	v18 =	vand.u32 $0x1FFFF, v16;
	v17 =	vshrl.u32 v23, $0xE;
	v16 =	vld.idx.msk [tilespmem:v26+s3+$0x0], $0xffff  }
0x86: {  	[tilespmem:s23+$0xFFFFFFD0] =	vst v9;
	v7 =	vmin.u32 v15, $0xFFFF;
	v15 =	vand.u32 $0x80000000, v23;
	v9 =	vand.u32 $0x1FFFF, v17;
	v17 =	vld.idx.msk [tilespmem:v8+s3+$0x0], $0xffff  }
0x87: {  	s21 =	sadd.s32 $0x1, s21;
	v21 =	vand.u32 $0x80000000, v25;
	v23 =	vand.u32 $0x80000000, v22;
	v8 =	vmin.u32 v18, $0xFFFF;
	v18 =	vld.idx.msk [tilespmem:v27+s3+$0x0], $0xffff  }
0x88: {  	s25 =	simm.s32 $0x8;
	s26 =	simm.s32 $0x12140;
	s24 =	simm.s32 $0x16040;
	[tilespmem:s23+$0xFFFFFFF0] =	vst v19;
	v22 =	vand.u32 $0x80000000, v24;
	v6 =	vmin.u32 v6, $0xFFFF;
	v9 =	vmin.u32 v9, $0xFFFF;
	v19 =	vld.idx.msk [tilespmem:v28+s3+$0x0], $0xffff  }
.LBB2_9:
0x89: {  	v24 =	vld [tilespmem:s26+$0x30];
	s25 =	sadd.s32 $0x8, s25;
	v10 =	vor.u32 v10, v2;
	v13 =	vor.u32 v13, v3;
	v11 =	vor.u32 v11, v1;
	v2 =	vmovc v15  }
0x8a: {  	v4 =	vand.u32 $0x80000000, v4;
	v12 =	vor.u32 v12, v0;
	v3 =	vmovc v23;
	v1 =	vmovc v22;
	v0 =	vmov v21;
	v15 =	vld [tilespmem:s26+$0xFFFFFFD0];
	p0 =	slt.u32 s25, $0x1F8;
	[tilespmem:s23+$0xFFFFFFC0] =	vst v10  }
0x8b: {  	v4 =	vor.u32 v16, v4;
	s23 =	sadd.s32 $0x80, s23;
	v21 =	vld [tilespmem:s26+$0xFFFFFFE0];
	[tilespmem:s24+$0x0] =	vst v13  }
0x8c: {  	v5 =	vor.u32 v17, v5;
	v22 =	vld [tilespmem:s26+$0xFFFFFFF0];
	[tilespmem:s23+$0x30] =	vst v4  }
0x8d: {  	v23 =	vld [tilespmem:s26+$0x0];
	[tilespmem:s23+$0xFFFFFFD0] =	vst v5;
	v5 =	vor.u32 v18, v20  }
0x8e: {  	v13 =	vor.u32 v19, v14;
	v25 =	vld [tilespmem:s26+$0x10];
	v10 =	vshrl.u32 v24, $0xE;
	[tilespmem:s23+$0xFFFFFFE0] =	vst v5;
	v4 =	vmov v24  }
0x8f: {  	v14 =	vshrl.u32 v15, $0xE;
	v5 =	vand.u32 $0x80000000, v15;
	v24 =	vld [tilespmem:s26+$0x20];
	v10 =	vand.u32 $0x1FFFF, v10;
	[tilespmem:s23+$0xFFFFFFF0] =	vst v13  }
0x90: {  	v15 =	vld [tilespmem:s26+$0xFFFFFFC0];
	v13 =	vand.u32 $0x1FFFF, v14;
	v14 =	vshrl.u32 v21, $0xE;
	v16 =	vmin.u32 v10, $0xFFFF;
	[tilespmem:s24+$0x10] =	vst v11  }
0x91: {  	v17 =	vmin.u32 v13, $0xFFFF;
	v11 =	vand.u32 $0x1FFFF, v14;
	v13 =	vshrl.u32 v22, $0xE;
	v10 =	vld.idx.msk [tilespmem:v9+s3+$0x0], $0xffff;
	[tilespmem:s24+$0x20] =	vst v12;
	s24 =	smov.u32 s23  }
0x92: {  	v14 =	vmin.u32 v11, $0xFFFF;
	v9 =	vand.u32 $0x1FFFF, v13;
	v11 =	vshrl.u32 v23, $0xE;
	v13 =	vld.idx.msk [tilespmem:v6+s3+$0x0], $0xffff  }
0x93: {  	v19 =	vmin.u32 v9, $0xFFFF;
	v6 =	vand.u32 $0x1FFFF, v11;
	v9 =	vshrl.u32 v25, $0xE;
	v11 =	vld.idx.msk [tilespmem:v7+s3+$0x0], $0xffff  }
.Ltmp4:
0x94: {  	v6 =	vmin.u32 v6, $0xFFFF;
	v7 =	vand.u32 $0x1FFFF, v9;
	v9 =	vshrl.u32 v24, $0xE;
	v12 =	vld.idx.msk [tilespmem:v8+s3+$0x0], $0xffff;
	(pc) =	sbr.rel @p0 .LBB2_9-.Ltmp4, $4  }
0x95: {  	v8 =	vshrl.u32 v15, $0xE;
	v7 =	vmin.u32 v7, $0xFFFF;
	v9 =	vand.u32 $0x1FFFF, v9;
	v16 =	vld.idx.msk [tilespmem:v16+s3+$0x0], $0xffff  }
0x96: {  	v15 =	vand.u32 $0x80000000, v15;
	v18 =	vand.u32 $0x1FFFF, v8;
	v17 =	vld.idx.msk [tilespmem:v17+s3+$0x0], $0xffff;
	v8 =	vmin.u32 v9, $0xFFFF  }
0x97: {  	v20 =	vand.u32 $0x80000000, v21;
	v9 =	vmin.u32 v18, $0xFFFF;
	v18 =	vld.idx.msk [tilespmem:v14+s3+$0x0], $0xffff;
	v14 =	vand.u32 $0x80000000, v22  }
0x98: {  	s26 =	sadd.s32 $0x80, s26;
	v23 =	vand.u32 $0x80000000, v23;
	v21 =	vand.u32 $0x80000000, v24;
	v22 =	vand.u32 $0x80000000, v25;
	v19 =	vld.idx.msk [tilespmem:v19+s3+$0x0], $0xffff  }
0x99: {  	_ = 	snop  }
0x9a: {  	v2 =	vor.u32 v10, v2  }
0x9b: {  	v3 =	vor.u32 v13, v3;
	[tilespmem:s23+$0xFFFFFFC0] =	vst v2  }
0x9c: {  	v1 =	vor.u32 v11, v1;
	[tilespmem:s24+$0x0] =	vst v3  }
0x9d: {  	v4 =	vand.u32 $0x80000000, v4;
	v54 =	vld.idx.msk [tilespmem:v9+s3+$0x0], $0xffff;
	v0 =	vor.u32 v12, v0;
	[tilespmem:s24+$0x10] =	vst v1  }
0x9e: {  	s31 =	sadd.s32 $0x80, s23;
	v56 =	vld.idx.msk [tilespmem:v6+s3+$0x0], $0xffff;
	v52 =	vor.u32 v16, v4;
	[tilespmem:s24+$0x20] =	vst v0  }
0x9f: {  	v58 =	vld.idx.msk [tilespmem:v7+s3+$0x0], $0xffff;
	v53 =	vor.u32 v17, v5;
	[tilespmem:s31+$0x30] =	vst v52  }
0xa0: {  	v59 =	vld.idx.msk [tilespmem:v8+s3+$0x0], $0xffff;
	[tilespmem:s31+$0xFFFFFFD0] =	vst v53;
	v55 =	vor.u32 v18, v20  }
0xa1: {  	[tilespmem:s31+$0xFFFFFFE0] =	vst v55;
	v57 =	vor.u32 v19, v14  }
0xa2: {  	p0 =	sne.s32 s21, $0x60;
	[tilespmem:s31+$0xFFFFFFF0] =	vst v57;
	v60 =	vor.u32 v54, v15  }
.Ltmp5:
0xa3: {  	v61 =	vor.u32 v56, v23;
	[tilespmem:s31+$0xFFFFFFC0] =	vst v60;
	(pc) =	sbr.rel @p0 .LBB2_2-.Ltmp5, $4  }
0xa4: {  	v62 =	vor.u32 v58, v22;
	[tilespmem:s31+$0x0] =	vst v61  }
0xa5: {  	v63 =	vor.u32 v59, v21;
	[tilespmem:s31+$0x10] =	vst v62  }
0xa6: {  	s22 =	sadd.s32 s6, s22;
	[tilespmem:s31+$0x20] =	vst v63  }
0xa7: {  	[hbm4b:s22+s3] =	stream.linear.scatter [tilespmem:s18], [sflag:$0x4], $0x2000, $0x38;
	[tilespmem:$0x18000] =	vst v63  }
0xa8: {  	s20 =	sadd.s32 $0x1, s20  }
0xa9: {  	_ =	swait.ge [sflag:s19], $0x2000;
	p0 =	sne.s32 s20, s10  }
.Ltmp6:
0xaa: {  	[sflag:s19] =	ssyncset.done $0x0;
	(pc) =	sbr.rel @p0 .LBB2_1-.Ltmp6, $4  }
0xab: {  	[sflag:s19] =	ssyncadd.s32 $0xFFFFE000  }
0xac: {  	_ =	swait.ge [sflag:s17], $0x2000  }
0xad: {  	[sflag:s17] =	ssyncset.done $0x0  }
0xae: {  	[sflag:s17] =	ssyncadd.s32 $0xFFFFE000  }
0xaf: {  	_ =	sfence.sel $0x180000  }
0xb0: {  	[bflag:$0x0] =	sbarrier.arrive $0xFFFF  }
0xb1: {  	p0 =	sne.s32 s0, $0x0;
	_ =	strace $0x9000004D  }
0xb2: {  	s0 =	sadd.s32 @!p0 $0x100000, s1;
	[bflag:$0x2] =	sbarrier.arrive $0xFFFF  }
0xb3: {  	[sflag:s0] =	ssyncadd.tile.s32 @!p0 $0x1;
	_ =	shalt  }
.Lfunc_end2:
_tile_overlayer_lowered:
.L_overlay_start_2:
0xb4: {  	(tag) =	ssettag $0x2  }
0xb5: {  	s0 =	rddreg [dreg:$0x0];
	s2 =	stileid.u32  }
0xb6: {  	s1 =	rddreg [dreg:$0x1];
	p0 =	sne.s32 s2, $0x0  }
0xb7: {  	s3 =	rddreg [dreg:$0x2];
	[bflag:$0x3] =	sbarrier.arrive $0xFFFF;
	s2 =	simm.s32 @!p0 $0x1C05  }
0xb8: {  	[timem:s3], [sflag:s2] =	dma.local @!p0 [hbm:s0], s1  }
0xb9: {  	s0 =	simm.s32 @!p0 $0x5  }
0xba: {  	_ =	swait.ge @!p0 [sflag:s0], s1  }
0xbb: {  	s1 =	ssub.s32 @!p0 $0x0, s1;
	[sflag:s0] =	ssyncset.done @!p0 $0x0  }
0xbc: {  	[sflag:s0] =	ssyncadd.s32 @!p0 s1  }
0xbd: {  	[bflag:$0x3] =	sbarrier.arrive $0xFFFF  }
0xbe: {  	_ =	shalt  }

// kernel: kernel.7.cloned.1.call-start
scs
__scs_entry_jumppad:
0x0: {  	(pc) =	sbr.rel $0x88, $3  }
0x1: {  	(tag) =	ssettag $0x0;
	lr =	simm.s32 $0x1  }
0x2: {  	[smem:$0x3F9E] =	sst lr;
	_ =	strace $0xD0000000  }
0x3: {  	_ = 	snop  }
0x4: {  	_ = 	snop  }
0x5: {  	_ = 	snop  }
0x6: {  	_ = 	snop  }
0x7: {  	_ = 	snop  }
__scs_overlays_trampoline_lowered:
0x8: {  	[smem:$0x3FAD] =	sst s0  }
0x9: {  	[smem:$0x3FAE] =	sst s1  }
0xa: {  	[smem:$0x3FAF] =	sst s2  }
0xb: {  	[smem:$0x3FB0] =	sst s3  }
0xc: {  	[smem:$0x3FB1] =	sst s4  }
0xd: {  	[smem:$0x3FB2] =	sst s5  }
0xe: {  	[smem:$0x3FB3] =	sst s6  }
0xf: {  	[smem:$0x3FB4] =	sst s7  }
0x10: {  	[smem:$0x3FB5] =	sst s8  }
0x11: {  	[smem:$0x3FB6] =	sst s9;
	s0 =	simm.s32 @!p0 $0x0  }
0x12: {  	s1 =	sld [smem:$0x3F9C];
	s0 =	simm.s32 @p0 $0x1  }
0x13: {  	[smem:$0x3FB7] =	sst s0;
	s0 =	simm.s32 @!p1 $0x0  }
0x14: {  	s2 =	sld [smem:$0x3F9B];
	s0 =	simm.s32 @p1 $0x1  }
0x15: {  	[smem:$0x3FB8] =	sst s0;
	s0 =	simm.s32 @!p2 $0x0  }
0x16: {  	s3 =	sld [smem:$0x3FDB];
	s0 =	simm.s32 @p2 $0x1  }
0x17: {  	s4 =	simm.s32 $0x1BF5;
	[smem:$0x3FBA] =	sst s0  }
0x18: {  	s0 =	sld [smem:$0x3F9D];
	_ =	swait.ge [sflag:s4], $0x0  }
0x19: {  	s7 =	sld [smem:$0x3F9E]  }
0x1a: {  	s8 =	sadd.s32 $0xFFFFE003, lr  }
0x1b: {  	s9 =	sadd.s32 $0xFFFFFEF7, lr;
	s5 =	simm.s32 $0xFFFFFFFF;
	p2 =	slt.u32 s8, $0xFFFFF086  }
0x1c: {  	p1 =	slt.u32 s9, $0xF7A;
	s5 =	simm.s32 @!p2 $0x0  }
0x1d: {  	s5 =	simm.s32 @p1 $0x1;
	p0 =	seq.s32 s7, s2  }
0x1e: {  	s7 =	smul.u32 @!p0 $0xF7A, s2;
	p2 =	seq.s32 @!p0 s5, $0x0  }
0x1f: {  	s9 =	smul.u32 $0xF7A, s1;
	s8 =	simm.s32 @!p0 $0x1BF5;
	p2 =	por !p2, p0  }
0x20: {  	[sflag:s8] =	ssyncset.s32 @!p0 $0xFFFFF086;
	s6 =	sadd.s32 @!p0 s3, s7;
	s7 =	simm.s32 @!p0 $0x108  }
0x21: {  	s3 =	sadd.s32 s3, s9;
	s6 =	sadd.s32 @!p0 $0x88, s6;
	s7 =	simm.s32 @p2 $0x1082  }
0x22: {  	[simem:s7], [sflag:s8] =	dma.local @!p0 [hbm:s6], $0xF7A  }
0x23: {  	s9 =	sor.u32 $0xD0000000, s2;
	s6 =	simm.s32 $0x108;
	_ =	swait.ge @!p0 [sflag:s8], $0x0  }
0x24: {  	s3 =	sadd.s32 $0x88, s3;
	s6 =	simm.s32 @!p1 $0x1082;
	[sflag:s4] =	ssyncset.s32 $0xFFFFF086  }
0x25: {  	[simem:s6], [sflag:s4] =	dma.local [hbm:s3], $0xF7A  }
0x26: {  	[smem:$0x3F9E] =	sst s1;
	(tag) =	ssettag s2;
	_ =	strace s9  }
0x27: {  	s1 =	sld [smem:$0x3FAE]  }
0x28: {  	s2 =	sld [smem:$0x3FAF]  }
0x29: {  	s4 =	sld [smem:$0x3FB1]  }
0x2a: {  	p0 =	seq.s32 s5, $0x0;
	s5 =	sld [smem:$0x3FB2]  }
0x2b: {  	s6 =	sld [smem:$0x3FB3]  }
0x2c: {  	s7 =	sld [smem:$0x3FB4]  }
0x2d: {  	s3 =	simm.s32 $0x108;
	s8 =	sld [smem:$0x3FB5]  }
0x2e: {  	s3 =	simm.s32 @!p0 $0x1082;
	s9 =	sld [smem:$0x3FB6]  }
0x2f: {  	lr =	sadd.s32 s0, s3;
	s0 =	sld [smem:$0x3FAD]  }
0x30: {  	s3 =	sld [smem:$0x3FB0]  }
0x31: {  	[smem:$0x3FB9] =	sst s10  }
0x32: {  	s10 =	sld [smem:$0x3FB7];
	_ =	sdelay $0x3  }
0x33: {  	p0 =	seq.s32 s10, $0x1;
	s10 =	sld [smem:$0x3FB9];
	_ =	sdelay $0x3  }
0x34: {  	[smem:$0x3FB9] =	sst s10  }
0x35: {  	s10 =	sld [smem:$0x3FB8];
	_ =	sdelay $0x3  }
0x36: {  	p1 =	seq.s32 s10, $0x1;
	s10 =	sld [smem:$0x3FB9];
	_ =	sdelay $0x3  }
0x37: {  	[smem:$0x3FB9] =	sst s10  }
0x38: {  	s10 =	sld [smem:$0x3FBA]  }
0x39: {  	_ = 	snop;
	(pc) =	sbr.ind lr, $3  }
0x3a: {  	_ = 	snop  }
0x3b: {  	_ = 	snop  }
0x3c: {  	p2 =	seq.s32 s10, $0x1;
	s10 =	sld [smem:$0x3FB9]  }
0x3d: {  	_ =	shalt  }
0x3e: {  	_ =	shalt  }
0x3f: {  	_ =	shalt  }
0x40: {  	_ =	shalt  }
0x41: {  	_ =	shalt  }
0x42: {  	_ =	shalt  }
0x43: {  	_ =	shalt  }
0x44: {  	_ =	shalt  }
0x45: {  	_ =	shalt  }
0x46: {  	_ =	shalt  }
0x47: {  	_ =	shalt  }
0x48: {  	_ =	shalt  }
0x49: {  	_ =	shalt  }
0x4a: {  	_ =	shalt  }
0x4b: {  	_ =	shalt  }
0x4c: {  	_ =	shalt  }
0x4d: {  	_ =	shalt  }
0x4e: {  	_ =	shalt  }
0x4f: {  	_ =	shalt  }
0x50: {  	_ =	shalt  }
0x51: {  	_ =	shalt  }
0x52: {  	_ =	shalt  }
0x53: {  	_ =	shalt  }
0x54: {  	_ =	shalt  }
0x55: {  	_ =	shalt  }
0x56: {  	_ =	shalt  }
0x57: {  	_ =	shalt  }
0x58: {  	_ =	shalt  }
0x59: {  	_ =	shalt  }
0x5a: {  	_ =	shalt  }
0x5b: {  	_ =	shalt  }
0x5c: {  	_ =	shalt  }
0x5d: {  	_ =	shalt  }
0x5e: {  	_ =	shalt  }
0x5f: {  	_ =	shalt  }
0x60: {  	_ =	shalt  }
0x61: {  	_ =	shalt  }
0x62: {  	_ =	shalt  }
0x63: {  	_ =	shalt  }
0x64: {  	_ =	shalt  }
0x65: {  	_ =	shalt  }
0x66: {  	_ =	shalt  }
0x67: {  	_ =	shalt  }
0x68: {  	_ =	shalt  }
0x69: {  	_ =	shalt  }
0x6a: {  	_ =	shalt  }
0x6b: {  	_ =	shalt  }
0x6c: {  	_ =	shalt  }
0x6d: {  	_ =	shalt  }
0x6e: {  	_ =	shalt  }
0x6f: {  	_ =	shalt  }
0x70: {  	_ =	shalt  }
0x71: {  	_ =	shalt  }
0x72: {  	_ =	shalt  }
0x73: {  	_ =	shalt  }
0x74: {  	_ =	shalt  }
0x75: {  	_ =	shalt  }
0x76: {  	_ =	shalt  }
0x77: {  	_ =	shalt  }
0x78: {  	_ =	shalt  }
0x79: {  	_ =	shalt  }
0x7a: {  	_ =	shalt  }
0x7b: {  	_ =	shalt  }
0x7c: {  	_ =	shalt  }
0x7d: {  	_ =	shalt  }
0x7e: {  	_ =	shalt  }
0x7f: {  	_ =	shalt  }
0x80: {  	_ =	shalt  }
0x81: {  	_ =	shalt  }
0x82: {  	_ =	shalt  }
0x83: {  	_ =	shalt  }
0x84: {  	_ =	shalt  }
0x85: {  	_ =	shalt  }
0x86: {  	_ =	shalt  }
0x87: {  	_ =	shalt  }
.Lfunc_end0:
.L_simem_size_0:
called_computation.1_lowered:
.L_overlay_start_0:
0x88: {  	s2 =	sld [smem:$0x3FD9]  }
0x89: {  	s3 =	sld [smem:$0x3FFE];
	_ =	sdelay $0x1  }
0x8a: {  	s1 =	srdreg.scid  }
0x8b: {  	s0 =	sand.u32 $0x1, s1  }
0x8c: {  	s16 =	sshll.u32 s0, $0xA;
	s2 =	sadd.s32 s3, s2  }
0x8d: {  	s2 =	sadd.s32 s2, s16  }
0x8e: {  	[smem:$0x3FC5] =	sst s2  }
0x8f: {  	_ = 	snop  }
0x90: {  	(tm) =	ssettm $0x1  }
0x91: {  	s17 =	sld [smem:$0x3FFB];
	_ =	sdelay $0x3  }
0x92: {  	_ =	strace s17  }
0x93: {  	s2 =	sld [smem:$0x3FFC];
	_ =	sdelay $0x3  }
0x94: {  	_ =	strace s2  }
0x95: {  	s2 =	sld [smem:$0x3FFD];
	_ =	sdelay $0x3  }
0x96: {  	_ =	strace s2  }
0x97: {  	_ =	strace $0x8FFFFFFF  }
0x98: {  	s18 =	sld [smem:$0x3FDB];
	_ =	sdelay $0x1  }
0x99: {  	s19 =	simm.s32 $_scs_section_size  }
0x9a: {  	s4 =	simm.s32 $_size__tile_overlayer_lowered;
	s5 =	simm.s32 $_tile_overlayer_lowered  }
0x9b: {  	s22 =	simm.s32 $0x1BFF;
	s21 =	sshll.u32 s5, $0x1;
	s2 =	sadd.s32 s19, s18  }
0x9c: {  	s6 =	simm.s32 $0x0;
	s20 =	sshll.u32 s4, $0x1;
	s4 =	sadd.s32 s21, s2  }
0x9d: {  	[timem:s6], [sflag:s22] =	dma.local [hbm:s4], s20  }
0x9e: {  	_ =	swait.ge [sflag:s22], s20  }
0x9f: {  	s3 =	ssub.s32 $0x0, s20;
	[sflag:s22] =	ssyncset.done $0x0  }
0xa0: {  	[sflag:s22] =	ssyncadd.s32 s3;
	_ =	sdelay $0x1  }
0xa1: {  	s23 =	simm.s32 $0x1B8B  }
0xa2: {  	_ =	swait.ge [sflag:s23], $0x1  }
0xa3: {  	[sflag:s23] =	ssyncset.done $0x0  }
0xa4: {  	s25 =	simm.s32 $0x1B8E;
	s24 =	sld [smem:$0x3FFE];
	[sflag:s23] =	ssyncadd.s32 $0xFFFFFFFF  }
0xa5: {  	s26 =	simm.s32 $execute0_lowered;
	[smem:$0x3FD2] =	sst s25  }
0xa6: {  	s4 =	sshll.u32 s26, $0x1;
	_ =	strace $0x80000049;
	[dreg:$0x1] =	wrdreg $0xFFFFFFFF  }
0xa7: {  	s28 =	simm.s32 $_size_execute0_lowered;
	s2 =	sadd.s32 s2, s4;
	[dreg:$0x0] =	wrdreg $0x0  }
0xa8: {  	s4 =	sshll.u32 s28, $0x1;
	[dreg:$0x2] =	wrdreg s2  }
0xa9: {  	[dreg:$0x3] =	wrdreg s4  }
0xaa: {  	[dreg:$0x4] =	wrdreg $0xC0  }
0xab: {  	_ =	task [dreg:s6], $0x5FFFF  }
0xac: {  	[dreg:$0x1] =	wrdreg $0xFFFFFFFF  }
0xad: {  	[dreg:$0x0] =	wrdreg $0x60  }
0xae: {  	[dreg:$0x2] =	wrdreg s24  }
0xaf: {  	[dreg:$0x3] =	wrdreg $0x9  }
0xb0: {  	_ =	task.clear_ibuf [dreg:s6], $0x4FFFF;
	_ =	strace $0x90000049  }
0xb1: {  	s29 =	simm.s32 $0x9;
	_ =	strace $0x8000004B  }
0xb2: {  	_ =	swait.ge [sflag:s29], $0x1  }
0xb3: {  	[sflag:s29] =	ssyncadd.s32 $0xFFFFFFFF  }
0xb4: {  	_ =	strace $0x9000004B  }
0xb5: {  	_ =	sfence  }
0xb6: {  	s30 =	sld [smem:$0x0];
	_ =	sdelay $0x2  }
0xb7: {  	s31 =	sshll.u32 s1, $0xD;
	s1 =	sshrl.u32 s1, $0x2  }
0xb8: {  	s3 =	sand.u32 $0x4000, s31;
	s1 =	sadd.s32 s1, s30  }
0xb9: {  	s0 =	sor.u32 s3, s0;
	s1 =	sshll.u32 s1, $0x11  }
0xba: {  	s0 =	sor.u32 s1, s0  }
0xbb: {  	s0 =	sadd.s32 $0x8F2B, s0  }
0xbc: {  	[sflag:s0] =	ssyncadd.remote.s32 $0x1  }
0xbd: {  	_ =	sfence.sel $0xFFFF  }
0xbe: {  	[dreg:$0x0] =	wrdreg $0xFFFFFFFF;
	(pc) =	sbr.abs _section_cstart, $3  }
0xbf: {  	[dreg:$0x1] =	wrdreg $0xFFFFFFFF  }
0xc0: {  	_ =	task.clear_ibuf [dreg:s6], $0x2FFFF;
	_ =	strace $0x9FFFFFFF  }
0xc1: {  	(tm) =	ssettm $0x7FFFFFFF  }
tec
execute0_lowered:
.L_overlay_start_1:
0x0: {  	(tag) =	ssettag $0x1  }
0x1: {  	s4 =	rddreg [dreg:$0x0]  }
0x2: {  	s0 =	rddreg [dreg:$0x1]  }
0x3: {  	s2 =	simm.s32 $0x0;
	s1 =	stileid.u32;
	s3 =	srdreg.scid  }
0x4: {  	s11 =	simm.s32 $0x1;
	s12 =	simm.s32 $0x2;
	s13 =	simm.s32 $0x80  }
0x5: {  	s14 =	simm.s32 $0x400;
	s15 =	simm.s32 $0x3;
	s16 =	simm.s32 $0x0  }
0x6: {  	[smem:$0x7FF] =	sst s2;
	s5 =	sand.u32 $0x1, s3;
	s6 =	sshll.u32 s1, $0xE  }
0x7: {  	s26 =	sshll.u32 s1, $0x1;
	s3 =	sadd.s32 $0x661A00, s4;
	_ =	strace $0x8000004A  }
0x8: {  	s7 =	sor.u32 s5, s26;
	s6 =	sand.u32 $0x30000, s6;
	s28 =	ssub.s32 $0x2, s5  }
0x9: {  	s8 =	smul.u32 $0x180000, s7;
	s29 =	sshll.u32 s7, $0x4;
	s30 =	sshrl.u32 s28, $0x1  }
0xa: {  	s6 =	sadd.s32 s6, s4;
	s5 =	sand.u32 $0x70, s29;
	s10 =	ssub.s32 s28, s30  }
0xb: {  	s9 =	sshrl.u32 s8, $0x3;
	s31 =	sadd.s32 s5, s6;
	s5 =	sor.u32 $0x4000, s8  }
0xc: {  	s6 =	sor.u32 $0x8000, s8;
	s8 =	smax.u32 s10, $0x1;
	s10 =	simm.s32 $0x14000  }
0xd: {  	v0 =	vimm.s32 $0x0;
	v1 =	vimm.s32 $0x1;
	s4 =	sadd.s32 s3, s9;
	s7 =	sadd.s32 $0x1A00, s31;
	s9 =	simm.s32 $0x10000  }
.LBB2_1:
0xe: {  	s17 =	simm.s32 $0x40  }
0xf: {  	[tilespmem:s17+$0xFFFFFFC0] =	vst v0  }
0x10: {  	[tilespmem:s17+$0x30] =	vst v0  }
0x11: {  	[tilespmem:s17+$0x20] =	vst v0  }
0x12: {  	[tilespmem:s17+$0x10] =	vst v0  }
0x13: {  	[tilespmem:s17+$0x0] =	vst v0  }
0x14: {  	[tilespmem:s17+$0xFFFFFFF0] =	vst v0  }
0x15: {  	s18 =	simm.s32 $0x0;
	[tilespmem:s17+$0xFFFFFFE0] =	vst v0  }
.LBB2_2:
0x16: {  	s18 =	sadd.s32 $0x8, s18;
	[tilespmem:s17+$0xFFFFFFD0] =	vst v0;
	s17 =	sadd.s32 $0x80, s17  }
0x17: {  	[tilespmem:s17+$0xFFFFFFC0] =	vst v0;
	p0 =	slt.u32 s18, $0xFF8  }
0x18: {  	[tilespmem:s17+$0x30] =	vst v0  }
.Ltmp0:
0x19: {  	[tilespmem:s17+$0x20] =	vst v0;
	(pc) =	sbr.rel @p0 .LBB2_2-.Ltmp0, $4  }
0x1a: {  	[tilespmem:s17+$0x10] =	vst v0  }
0x1b: {  	[tilespmem:s17+$0x0] =	vst v0  }
0x1c: {  	[tilespmem:s17+$0xFFFFFFF0] =	vst v0  }
0x1d: {  	[tilespmem:s17+$0xFFFFFFE0] =	vst v0  }
0x1e: {  	[tilespmem:s17+$0xFFFFFFD0] =	vst v0;
	s17 =	simm.s32 $0x0  }
0x1f: {  	[tilespmem:s9], [sflag:$0x1] =	stream.linear.gather [hbm4b:s4+s17], $0x4000, $0x38;
	[tilespmem:$0x18000] =	vst v63  }
.LBB2_5:
0x20: {  	s18 =	sshll.u32 s17, $0xF  }
0x21: {  	s19 =	sadd.s32 s18, s5  }
0x22: {  	s19 =	sshrl.u32 s19, $0x3  }
0x23: {  	s19 =	sadd.s32 s3, s19  }
0x24: {  	[tilespmem:s10], [sflag:$0x2] =	stream.linear.gather [hbm4b:s19+s2], $0x4000, $0x38;
	[tilespmem:$0x18000] =	vst v63  }
0x25: {  	_ =	swait.ge [sflag:s11], $0x4000  }
0x26: {  	[sflag:s11] =	ssyncset.done $0x0  }
0x27: {  	s31 =	simm.s32 $0x10040;
	[sflag:s11] =	ssyncadd.s32 $0xFFFFC000  }
0x28: {  	v2 =	vld [tilespmem:s31+$0x30]  }
0x29: {  	v3 =	vld [tilespmem:s31+$0xFFFFFFD0]  }
0x2a: {  	v4 =	vld [tilespmem:s31+$0xFFFFFFE0]  }
0x2b: {  	v5 =	vld [tilespmem:s31+$0xFFFFFFF0];
	_ =	sdelay $0x1  }
0x2c: {  	v6 =	vld [tilespmem:s31+$0x0];
	v2 =	vshrl.u32 v2, $0xE  }
0x2d: {  	v7 =	vld [tilespmem:s31+$0x10];
	v3 =	vshrl.u32 v3, $0xE;
	v2 =	vand.u32 $0x1FFFF, v2  }
0x2e: {  	v8 =	vld [tilespmem:s31+$0x20];
	v4 =	vshrl.u32 v4, $0xE;
	v3 =	vand.u32 $0x1FFFF, v3;
	v2 =	vmin.u32 v2, $0xFFFF  }
0x2f: {  	v9 =	vld [tilespmem:s31+$0xFFFFFFC0];
	v5 =	vshrl.u32 v5, $0xE;
	v4 =	vand.u32 $0x1FFFF, v4;
	v3 =	vmin.u32 v3, $0xFFFF  }
0x30: {  	v5 =	vand.u32 $0x1FFFF, v5;
	v4 =	vmin.u32 v4, $0xFFFF  }
0x31: {  	v10 =	vmin.u32 v5, $0xFFFF  }
0x32: {  	v5 =	vshrl.u32 v6, $0xE  }
0x33: {  	v6 =	vshrl.u32 v7, $0xE;
	v5 =	vand.u32 $0x1FFFF, v5;
	[tilespmem:v2+s2+$0x0] =	vst.idx.add.s32.msk $0xffff, v1  }
0x34: {  	v7 =	vshrl.u32 v9, $0xE;
	v2 =	vmin.u32 v5, $0xFFFF;
	v5 =	vshrl.u32 v8, $0xE;
	[tilespmem:v3+s2+$0x0] =	vst.idx.add.s32.msk $0xffff, v1  }
0x35: {  	v3 =	vand.u32 $0x1FFFF, v6;
	v6 =	vand.u32 $0x1FFFF, v7;
	[tilespmem:v4+s2+$0x0] =	vst.idx.add.s32.msk $0xffff, v1;
	v5 =	vand.u32 $0x1FFFF, v5  }
0x36: {  	s20 =	simm.s32 $0x100C0;
	s19 =	simm.s32 $0x0;
	[tilespmem:v10+s2+$0x0] =	vst.idx.add.s32.msk $0xffff, v1;
	v3 =	vmin.u32 v3, $0xFFFF;
	v4 =	vmin.u32 v5, $0xFFFF;
	v5 =	vmin.u32 v6, $0xFFFF  }
.LBB2_6:
0x37: {  	v6 =	vld [tilespmem:s20+$0x30];
	s19 =	sadd.s32 $0x8, s19  }
0x38: {  	v7 =	vld [tilespmem:s20+$0xFFFFFFD0];
	p0 =	slt.u32 s19, $0x3F8  }
0x39: {  	v8 =	vld [tilespmem:s20+$0xFFFFFFE0]  }
0x3a: {  	v9 =	vld [tilespmem:s20+$0xFFFFFFF0]  }
0x3b: {  	v10 =	vld [tilespmem:s20+$0x0]  }
0x3c: {  	v11 =	vld [tilespmem:s20+$0x10];
	v6 =	vshrl.u32 v6, $0xE  }
0x3d: {  	v7 =	vshrl.u32 v7, $0xE;
	v12 =	vld [tilespmem:s20+$0x20];
	v6 =	vand.u32 $0x1FFFF, v6  }
0x3e: {  	v13 =	vld [tilespmem:s20+$0xFFFFFFC0];
	v7 =	vand.u32 $0x1FFFF, v7;
	v8 =	vshrl.u32 v8, $0xE;
	v6 =	vmin.u32 v6, $0xFFFF  }
0x3f: {  	v7 =	vmin.u32 v7, $0xFFFF;
	v8 =	vand.u32 $0x1FFFF, v8;
	v9 =	vshrl.u32 v9, $0xE;
	[tilespmem:v5+s2+$0x0] =	vst.idx.add.s32.msk $0xffff, v1  }
0x40: {  	v8 =	vmin.u32 v8, $0xFFFF;
	v5 =	vand.u32 $0x1FFFF, v9;
	v9 =	vshrl.u32 v10, $0xE;
	[tilespmem:v2+s2+$0x0] =	vst.idx.add.s32.msk $0xffff, v1  }
0x41: {  	v10 =	vmin.u32 v5, $0xFFFF;
	v2 =	vand.u32 $0x1FFFF, v9;
	v5 =	vshrl.u32 v11, $0xE;
	[tilespmem:v3+s2+$0x0] =	vst.idx.add.s32.msk $0xffff, v1  }
.Ltmp1:
0x42: {  	v2 =	vmin.u32 v2, $0xFFFF;
	v3 =	vand.u32 $0x1FFFF, v5;
	v5 =	vshrl.u32 v12, $0xE;
	[tilespmem:v4+s2+$0x0] =	vst.idx.add.s32.msk $0xffff, v1;
	(pc) =	sbr.rel @p0 .LBB2_6-.Ltmp1, $4  }
0x43: {  	v4 =	vshrl.u32 v13, $0xE;
	v3 =	vmin.u32 v3, $0xFFFF;
	v5 =	vand.u32 $0x1FFFF, v5;
	[tilespmem:v6+s2+$0x0] =	vst.idx.add.s32.msk $0xffff, v1  }
0x44: {  	v6 =	vand.u32 $0x1FFFF, v4;
	[tilespmem:v7+s2+$0x0] =	vst.idx.add.s32.msk $0xffff, v1;
	v4 =	vmin.u32 v5, $0xFFFF  }
0x45: {  	v5 =	vmin.u32 v6, $0xFFFF;
	[tilespmem:v8+s2+$0x0] =	vst.idx.add.s32.msk $0xffff, v1  }
0x46: {  	s20 =	sadd.s32 $0x80, s20;
	[tilespmem:v10+s2+$0x0] =	vst.idx.add.s32.msk $0xffff, v1  }
0x47: {  	_ =	sdelay $0x3  }
0x48: {  	[tilespmem:v5+s2+$0x0] =	vst.idx.add.s32.msk $0xffff, v1;
	p0 =	seq.s32 s17, $0x2F  }
0x49: {  	[tilespmem:v2+s2+$0x0] =	vst.idx.add.s32.msk $0xffff, v1;
	s18 =	sadd.s32 @!p0 s18, s6  }
0x4a: {  	[tilespmem:v3+s2+$0x0] =	vst.idx.add.s32.msk $0xffff, v1;
	s18 =	sshrl.u32 @!p0 s18, $0x3  }
0x4b: {  	[tilespmem:v4+s2+$0x0] =	vst.idx.add.s32.msk $0xffff, v1;
	s19 =	simm.s32 @!p0 $0x0;
	s20 =	simm.s32 @!p0 $0x10000;
	s18 =	sadd.s32 @!p0 s3, s18  }
0x4c: {  	[tilespmem:s20], [sflag:$0x1] =	stream.linear.gather @!p0 [hbm4b:s18+s19], $0x4000, $0x38;
	[tilespmem:$0x18000] =	vst v63  }
0x4d: {  	_ =	swait.ge [sflag:s12], $0x4000  }
0x4e: {  	[sflag:s12] =	ssyncset.done $0x0  }
0x4f: {  	s31 =	simm.s32 $0x14040;
	[sflag:s12] =	ssyncadd.s32 $0xFFFFC000  }
0x50: {  	v2 =	vld [tilespmem:s31+$0x30]  }
0x51: {  	v3 =	vld [tilespmem:s31+$0xFFFFFFD0]  }
0x52: {  	v4 =	vld [tilespmem:s31+$0xFFFFFFE0]  }
0x53: {  	v5 =	vld [tilespmem:s31+$0xFFFFFFF0];
	_ =	sdelay $0x1  }
0x54: {  	v6 =	vld [tilespmem:s31+$0x0];
	v2 =	vshrl.u32 v2, $0xE  }
0x55: {  	v7 =	vld [tilespmem:s31+$0x10];
	v3 =	vshrl.u32 v3, $0xE;
	v2 =	vand.u32 $0x1FFFF, v2  }
0x56: {  	v8 =	vld [tilespmem:s31+$0x20];
	v4 =	vshrl.u32 v4, $0xE;
	v3 =	vand.u32 $0x1FFFF, v3;
	v2 =	vmin.u32 v2, $0xFFFF  }
0x57: {  	v9 =	vld [tilespmem:s31+$0xFFFFFFC0];
	v5 =	vshrl.u32 v5, $0xE;
	v4 =	vand.u32 $0x1FFFF, v4;
	v3 =	vmin.u32 v3, $0xFFFF  }
0x58: {  	v5 =	vand.u32 $0x1FFFF, v5;
	v4 =	vmin.u32 v4, $0xFFFF  }
0x59: {  	v10 =	vmin.u32 v5, $0xFFFF  }
0x5a: {  	v5 =	vshrl.u32 v6, $0xE  }
0x5b: {  	v6 =	vshrl.u32 v7, $0xE;
	v5 =	vand.u32 $0x1FFFF, v5;
	[tilespmem:v2+s2+$0x0] =	vst.idx.add.s32.msk $0xffff, v1  }
0x5c: {  	v7 =	vshrl.u32 v9, $0xE;
	v2 =	vmin.u32 v5, $0xFFFF;
	v5 =	vshrl.u32 v8, $0xE;
	[tilespmem:v3+s2+$0x0] =	vst.idx.add.s32.msk $0xffff, v1  }
0x5d: {  	v3 =	vand.u32 $0x1FFFF, v6;
	v6 =	vand.u32 $0x1FFFF, v7;
	[tilespmem:v4+s2+$0x0] =	vst.idx.add.s32.msk $0xffff, v1;
	v5 =	vand.u32 $0x1FFFF, v5  }
0x5e: {  	s17 =	sadd.s32 $0x1, s17;
	s18 =	simm.s32 $0x0;
	s19 =	simm.s32 $0x140C0;
	[tilespmem:v10+s2+$0x0] =	vst.idx.add.s32.msk $0xffff, v1;
	v3 =	vmin.u32 v3, $0xFFFF;
	v4 =	vmin.u32 v5, $0xFFFF;
	v5 =	vmin.u32 v6, $0xFFFF  }
.LBB2_8:
0x5f: {  	v6 =	vld [tilespmem:s19+$0x30];
	s18 =	sadd.s32 $0x8, s18  }
0x60: {  	v7 =	vld [tilespmem:s19+$0xFFFFFFD0];
	p0 =	slt.u32 s18, $0x3F8  }
0x61: {  	v8 =	vld [tilespmem:s19+$0xFFFFFFE0]  }
0x62: {  	v9 =	vld [tilespmem:s19+$0xFFFFFFF0]  }
0x63: {  	v10 =	vld [tilespmem:s19+$0x0]  }
0x64: {  	v11 =	vld [tilespmem:s19+$0x10];
	v6 =	vshrl.u32 v6, $0xE  }
0x65: {  	v7 =	vshrl.u32 v7, $0xE;
	v12 =	vld [tilespmem:s19+$0x20];
	v6 =	vand.u32 $0x1FFFF, v6  }
0x66: {  	v13 =	vld [tilespmem:s19+$0xFFFFFFC0];
	v7 =	vand.u32 $0x1FFFF, v7;
	v8 =	vshrl.u32 v8, $0xE;
	v6 =	vmin.u32 v6, $0xFFFF  }
0x67: {  	v7 =	vmin.u32 v7, $0xFFFF;
	v8 =	vand.u32 $0x1FFFF, v8;
	v9 =	vshrl.u32 v9, $0xE;
	[tilespmem:v5+s2+$0x0] =	vst.idx.add.s32.msk $0xffff, v1  }
0x68: {  	v8 =	vmin.u32 v8, $0xFFFF;
	v5 =	vand.u32 $0x1FFFF, v9;
	v9 =	vshrl.u32 v10, $0xE;
	[tilespmem:v2+s2+$0x0] =	vst.idx.add.s32.msk $0xffff, v1  }
0x69: {  	v10 =	vmin.u32 v5, $0xFFFF;
	v2 =	vand.u32 $0x1FFFF, v9;
	v5 =	vshrl.u32 v11, $0xE;
	[tilespmem:v3+s2+$0x0] =	vst.idx.add.s32.msk $0xffff, v1  }
.Ltmp2:
0x6a: {  	v2 =	vmin.u32 v2, $0xFFFF;
	v3 =	vand.u32 $0x1FFFF, v5;
	v5 =	vshrl.u32 v12, $0xE;
	[tilespmem:v4+s2+$0x0] =	vst.idx.add.s32.msk $0xffff, v1;
	(pc) =	sbr.rel @p0 .LBB2_8-.Ltmp2, $4  }
0x6b: {  	v4 =	vshrl.u32 v13, $0xE;
	v3 =	vmin.u32 v3, $0xFFFF;
	v5 =	vand.u32 $0x1FFFF, v5;
	[tilespmem:v6+s2+$0x0] =	vst.idx.add.s32.msk $0xffff, v1  }
0x6c: {  	v6 =	vand.u32 $0x1FFFF, v4;
	[tilespmem:v7+s2+$0x0] =	vst.idx.add.s32.msk $0xffff, v1;
	v4 =	vmin.u32 v5, $0xFFFF  }
0x6d: {  	v5 =	vmin.u32 v6, $0xFFFF;
	[tilespmem:v8+s2+$0x0] =	vst.idx.add.s32.msk $0xffff, v1  }
0x6e: {  	s19 =	sadd.s32 $0x80, s19;
	[tilespmem:v10+s2+$0x0] =	vst.idx.add.s32.msk $0xffff, v1  }
0x6f: {  	_ =	sdelay $0x3  }
0x70: {  	[tilespmem:v5+s2+$0x0] =	vst.idx.add.s32.msk $0xffff, v1  }
0x71: {  	[tilespmem:v2+s2+$0x0] =	vst.idx.add.s32.msk $0xffff, v1  }
0x72: {  	[tilespmem:v3+s2+$0x0] =	vst.idx.add.s32.msk $0xffff, v1  }
0x73: {  	[tilespmem:v4+s2+$0x0] =	vst.idx.add.s32.msk $0xffff, v1  }
0x74: {  	p0 =	seq.s32 s17, $0x30  }
.Ltmp3:
0x75: {  	_ = 	snop;
	(pc) =	sbr.rel @!p0 .LBB2_5-.Ltmp3, $1  }
0x76: {  	_ =	sdelay $0x3  }
0x77: {  	s16 =	sadd.s32 $0x1, s16  }
0x78: {  	p0 =	sne.s32 s16, s8  }
.Ltmp4:
0x79: {  	_ = 	snop;
	(pc) =	sbr.rel @p0 .LBB2_1-.Ltmp4, $4  }
0x7a: {  	[hbm4b:s7+s13] =	stream.strided.scatter [tilespmem:s2], [sflag:$0x3], $0x10000, s14, s13, $0x38;
	[tilespmem:$0x18000] =	vst v63  }
0x7b: {  	_ =	swait.ge [sflag:s15], $0x10000  }
0x7c: {  	[sflag:s15] =	ssyncset.done $0x0  }
0x7d: {  	[sflag:s15] =	ssyncadd.s32 $0xFFFF0000  }
0x7e: {  	_ =	sfence.sel $0x180000  }
0x7f: {  	[bflag:$0x0] =	sbarrier.arrive $0xFFFF  }
0x80: {  	p0 =	sne.s32 s1, $0x0;
	_ =	strace $0x9000004A  }
0x81: {  	s0 =	sadd.s32 @!p0 $0x100000, s0;
	[bflag:$0x2] =	sbarrier.arrive $0xFFFF  }
0x82: {  	[sflag:s0] =	ssyncadd.tile.s32 @!p0 $0x1;
	_ =	shalt  }
.Lfunc_end2:
_tile_overlayer_lowered:
.L_overlay_start_2:
0x83: {  	(tag) =	ssettag $0x2  }
0x84: {  	s0 =	rddreg [dreg:$0x0];
	s2 =	stileid.u32  }
0x85: {  	s1 =	rddreg [dreg:$0x1];
	p0 =	sne.s32 s2, $0x0  }
0x86: {  	s3 =	rddreg [dreg:$0x2];
	[bflag:$0x3] =	sbarrier.arrive $0xFFFF;
	s2 =	simm.s32 @!p0 $0x1C03  }
0x87: {  	[timem:s3], [sflag:s2] =	dma.local @!p0 [hbm:s0], s1  }
0x88: {  	s0 =	simm.s32 @!p0 $0x3  }
0x89: {  	_ =	swait.ge @!p0 [sflag:s0], s1  }
0x8a: {  	s1 =	ssub.s32 @!p0 $0x0, s1;
	[sflag:s0] =	ssyncset.done @!p0 $0x0  }
0x8b: {  	[sflag:s0] =	ssyncadd.s32 @!p0 s1  }
0x8c: {  	[bflag:$0x3] =	sbarrier.arrive $0xFFFF  }
0x8d: {  	_ =	shalt  }

// kernel: sparse-core-data-format-call.cloned.1.call-start
scs
called_computation_lowered:
.L_overlay_start_0:
0x0: {  	s1 =	sld [smem:$0x3FD9]  }
0x1: {  	s2 =	sld [smem:$0x3FFE];
	_ =	sdelay $0x1  }
0x2: {  	s3 =	srdreg.scid  }
0x3: {  	s0 =	sand.u32 $0x1, s3  }
0x4: {  	s17 =	sshll.u32 s0, $0xA;
	s1 =	sadd.s32 s2, s1  }
0x5: {  	s1 =	sadd.s32 s1, s17  }
0x6: {  	[smem:$0x3FC5] =	sst s1  }
0x7: {  	_ = 	snop  }
0x8: {  	(tm) =	ssettm $0x1  }
0x9: {  	s18 =	sld [smem:$0x3FFB];
	_ =	sdelay $0x3  }
0xa: {  	_ =	strace s18  }
0xb: {  	s1 =	sld [smem:$0x3FFC];
	_ =	sdelay $0x3  }
0xc: {  	_ =	strace s1  }
0xd: {  	s1 =	sld [smem:$0x3FFD];
	_ =	sdelay $0x3  }
0xe: {  	_ =	strace s1  }
0xf: {  	_ =	strace $0x8FFFFFFF  }
0x10: {  	s19 =	sld [smem:$0x3FDB];
	_ =	sdelay $0x1  }
0x11: {  	s20 =	simm.s32 $_scs_section_size  }
0x12: {  	s4 =	simm.s32 $_size__tile_overlayer_lowered;
	s5 =	simm.s32 $_tile_overlayer_lowered  }
0x13: {  	s23 =	simm.s32 $0x1BFF;
	s22 =	sshll.u32 s5, $0x1;
	s1 =	sadd.s32 s20, s19  }
0x14: {  	s6 =	simm.s32 $0x0;
	s21 =	sshll.u32 s4, $0x1;
	s4 =	sadd.s32 s22, s1  }
0x15: {  	[timem:s6], [sflag:s23] =	dma.local [hbm:s4], s21  }
0x16: {  	_ =	swait.ge [sflag:s23], s21  }
0x17: {  	s2 =	ssub.s32 $0x0, s21;
	[sflag:s23] =	ssyncset.done $0x0  }
0x18: {  	[sflag:s23] =	ssyncadd.s32 s2;
	_ =	sdelay $0x1  }
0x19: {  	s24 =	simm.s32 $0x1B8B  }
0x1a: {  	_ =	swait.ge [sflag:s24], $0x1  }
0x1b: {  	[sflag:s24] =	ssyncset.done $0x0  }
0x1c: {  	s26 =	simm.s32 $0x1B8E;
	s25 =	sld [smem:$0x3FFE];
	[sflag:s24] =	ssyncadd.s32 $0xFFFFFFFF  }
0x1d: {  	s27 =	simm.s32 $execute0_lowered;
	[smem:$0x3FD2] =	sst s26  }
0x1e: {  	s4 =	sshll.u32 s27, $0x1;
	_ =	strace $0x80000046;
	[dreg:$0x1] =	wrdreg $0xFFFFFFFF  }
0x1f: {  	s28 =	simm.s32 $_size_execute0_lowered;
	s1 =	sadd.s32 s1, s4;
	[dreg:$0x0] =	wrdreg $0x0  }
0x20: {  	s4 =	sshll.u32 s28, $0x1;
	[dreg:$0x2] =	wrdreg s1  }
0x21: {  	[dreg:$0x3] =	wrdreg s4  }
0x22: {  	[dreg:$0x4] =	wrdreg $0xC0  }
0x23: {  	_ =	task [dreg:s6], $0x5FFFF  }
0x24: {  	[dreg:$0x1] =	wrdreg $0xFFFFFFFF  }
0x25: {  	[dreg:$0x0] =	wrdreg $0x60  }
0x26: {  	[dreg:$0x2] =	wrdreg s25  }
0x27: {  	[dreg:$0x3] =	wrdreg $0x9  }
0x28: {  	_ =	task.clear_ibuf [dreg:s6], $0x4FFFF;
	_ =	strace $0x90000046  }
0x29: {  	s29 =	simm.s32 $0x9;
	_ =	strace $0x80000048  }
0x2a: {  	_ =	swait.ge [sflag:s29], $0x1  }
0x2b: {  	[sflag:s29] =	ssyncadd.s32 $0xFFFFFFFF  }
0x2c: {  	_ =	strace $0x90000048  }
0x2d: {  	_ =	sfence  }
0x2e: {  	s30 =	sld [smem:$0x0];
	_ =	sdelay $0x2  }
0x2f: {  	s31 =	sshll.u32 s3, $0xD;
	s3 =	sshrl.u32 s3, $0x2  }
0x30: {  	s2 =	sand.u32 $0x4000, s31;
	s1 =	sadd.s32 s3, s30  }
0x31: {  	s0 =	sor.u32 s2, s0;
	s1 =	sshll.u32 s1, $0x11  }
0x32: {  	s0 =	sor.u32 s1, s0  }
0x33: {  	s0 =	sadd.s32 $0x8F2B, s0  }
0x34: {  	[sflag:s0] =	ssyncadd.remote.s32 $0x1  }
0x35: {  	_ =	sfence.sel $0xFFFF  }
0x36: {  	[dreg:$0x0] =	wrdreg $0xFFFFFFFF;
	(pc) =	sbr.abs _section_cstart, $3  }
0x37: {  	[dreg:$0x1] =	wrdreg $0xFFFFFFFF  }
0x38: {  	_ =	task.clear_ibuf [dreg:s6], $0x2FFFF;
	_ =	strace $0x9FFFFFFF  }
0x39: {  	(tm) =	ssettm $0x7FFFFFFF  }
tec
execute0_lowered:
.L_overlay_start_1:
0x0: {  	(tag) =	ssettag $0x1  }
0x1: {  	s1 =	rddreg [dreg:$0x0]  }
0x2: {  	s0 =	rddreg [dreg:$0x1]  }
0x3: {  	_ =	strace $0x80000047;
	s4 =	srdreg.scid;
	s6 =	simm.s32 $0x2  }
.Ltmp0:
0x4: {  	p0 =	por $0x0, $0x0;
	s9 =	simm.s32 $0x0;
	(pc) =	sbr.rel .LBB1_1-.Ltmp0, $4  }
0x5: {  	s2 =	sadd.s32 $0x61A00, s1;
	s3 =	sadd.s32 $0x661A00, s1;
	s5 =	sshll.u32 s4, $0x4  }
0x6: {  	s1 =	stileid.u32;
	s4 =	simm.s32 $0x1;
	s5 =	sand.u32 $0x10, s5  }
0x7: {  	s7 =	simm.s32 $0x0;
	[sflag:s4] =	ssyncpa.u1 $0x0;
	s5 =	sor.u32 s1, s5  }
0x8: {  	[sflag:s6] =	ssyncpa.u1 $0x0;
	s6 =	simm.s32 $0x0;
	s8 =	smov.u32 s5  }
.LBB1_7:
0x9: {  	s11 =	sadd.s32 $0x20, s8  }
0xa: {  	p1 =	slt.u32 s7, $0x2;
	s7 =	sadd.s32 $0x1, s7;
	p2 =	sgt.s32 s11, $0xBFF  }
0xb: {  	s11 =	smov.u32 @p2 s5;
	p2 =	sne.s32 s7, $0x62  }
.Ltmp1:
0xc: {  	_ = 	snop;
	(pc) =	sbr.rel @!p2 .LBB1_8-.Ltmp1, $4  }
0xd: {  	s10 =	simm.s32 @!p1 $0x2  }
0xe: {  	_ =	swait.ge @!p1 [sflag:s10], $0x4000  }
0xf: {  	s9 =	smov.u32 s8;
	[sflag:s10] =	ssyncset.done @!p1 $0x0  }
0x10: {  	p0 =	por !p0, !p0;
	s8 =	smov.u32 s11;
	[sflag:s10] =	ssyncadd.s32 @!p1 $0xFFFFC000  }
.LBB1_1:
0x11: {  	p1 =	sgt.u32 s7, $0x5F  }
0x12: {  	s10 =	sxor.u32 @!p1 $0xFFFFFFFF, s7  }
0x13: {  	s11 =	sshll.u32 @!p1 s8, $0xB;
	s10 =	sshll.u32 @!p1 s10, $0xE  }
0x14: {  	s12 =	simm.s32 @!p1 $0x0;
	s11 =	sadd.s32 @!p1 s2, s11;
	s10 =	sand.u32 @!p1 $0x4000, s10  }
0x15: {  	[tilespmem:s10], [sflag:$0x1] =	stream.linear.gather @!p1 [hbm4b:s11+s12], $0x4000, $0x38;
	[tilespmem:$0x10000] =	vst v63  }
0x16: {  	p1 =	seq.s32 s7, $0x0  }
0x17: {  	p2 =	seq.s32 @!p1 s7, $0x61  }
0x18: {  	p1 =	por p1, p2  }
.Ltmp2:
0x19: {  	_ = 	snop;
	(pc) =	sbr.rel @p1 .LBB1_7-.Ltmp2, $1  }
0x1a: {  	_ =	sdelay $0x3  }
0x1b: {  	s10 =	simm.s32 $0x1;
	_ =	swait.ge [sflag:s4], $0x4000;
	s12 =	sshll.u32 s7, $0xE  }
0x1c: {  	s13 =	simm.s32 $0x0;
	s10 =	simm.s32 @!p0 $0x0;
	[sflag:s4] =	ssyncset.done $0x0  }
0x1d: {  	s12 =	sand.u32 $0x4000, s12;
	s11 =	sshll.u32 s10, $0xE;
	[sflag:s4] =	ssyncadd.s32 $0xFFFFC000  }
0x1e: {  	s12 =	sor.u32 $0x8000, s12;
	s10 =	sor.u32 $0x8040, s11;
	s11 =	sor.u32 $0x40, s11  }
.LBB1_3:
0x1f: {  	v0 =	vmov s11;
	_ =	sdelay $0x3  }
0x20: {  	s15 =	simm.s32 $0x0  }
0x21: {  	v6 =	vld.idx.msk [tilespmem:v0+s15+$0x30 ss:$0x1], $0xffff  }
0x22: {  	v7 =	vld.idx.msk [tilespmem:v0+s15+$0xFFFFFFC0 ss:$0x1], $0xffff  }
0x23: {  	v5 =	vld.idx.msk [tilespmem:v0+s15+$0xFFFFFFD0 ss:$0x1], $0xffff  }
0x24: {  	v4 =	vld.idx.msk [tilespmem:v0+s15+$0xFFFFFFE0 ss:$0x1], $0xffff  }
0x25: {  	v3 =	vld.idx.msk [tilespmem:v0+s15+$0xFFFFFFF0 ss:$0x1], $0xffff  }
0x26: {  	v1 =	vld.idx.msk [tilespmem:v0+s15+$0x0 ss:$0x1], $0xffff  }
0x27: {  	v2 =	vld.idx.msk [tilespmem:v0+s15+$0x10 ss:$0x1], $0xffff;
	[tilespmem:s10+$0x30] =	vst v6  }
0x28: {  	s14 =	simm.s32 $0x80;
	s16 =	simm.s32 $0x400;
	[tilespmem:s10+$0xFFFFFFC0] =	vst v7;
	v6 =	vld.idx.msk [tilespmem:v0+s15+$0x20 ss:$0x1], $0xffff;
	s15 =	smov.u32 s10  }
.LBB1_4:
0x29: {  	p1 =	sne.s32 s16, $0xE00;
	v7 =	vld.idx.msk [tilespmem:v0+s14+$0x30 ss:$0x1], $0xffff;
	[tilespmem:s15+$0xFFFFFFD0] =	vst v5  }
0x2a: {  	v8 =	vld.idx.msk [tilespmem:v0+s14+$0xFFFFFFC0 ss:$0x1], $0xffff;
	[tilespmem:s15+$0xFFFFFFE0] =	vst v4  }
0x2b: {  	v5 =	vld.idx.msk [tilespmem:v0+s14+$0xFFFFFFD0 ss:$0x1], $0xffff;
	[tilespmem:s15+$0xFFFFFFF0] =	vst v3  }
.Ltmp3:
0x2c: {  	v4 =	vld.idx.msk [tilespmem:v0+s14+$0xFFFFFFE0 ss:$0x1], $0xffff;
	[tilespmem:s15+$0x0] =	vst v1;
	(pc) =	sbr.rel @p1 .LBB1_4-.Ltmp3, $4  }
0x2d: {  	v3 =	vld.idx.msk [tilespmem:v0+s14+$0xFFFFFFF0 ss:$0x1], $0xffff;
	[tilespmem:s15+$0x10] =	vst v2  }
0x2e: {  	v1 =	vld.idx.msk [tilespmem:v0+s14+$0x0 ss:$0x1], $0xffff;
	[tilespmem:s15+$0x20] =	vst v6;
	s15 =	sadd.s32 $0x800, s15  }
0x2f: {  	v2 =	vld.idx.msk [tilespmem:v0+s14+$0x10 ss:$0x1], $0xffff;
	[tilespmem:s15+$0x30] =	vst v7  }
0x30: {  	[tilespmem:s15+$0xFFFFFFC0] =	vst v8;
	v6 =	vld.idx.msk [tilespmem:v0+s14+$0x20 ss:$0x1], $0xffff;
	s14 =	sshra.s32 s16, $0x2;
	s16 =	sadd.s32 $0x200, s16  }
0x31: {  	_ =	sdelay $0x2  }
0x32: {  	[tilespmem:s15+$0xFFFFFFD0] =	vst v5  }
0x33: {  	v56 =	vld.idx.msk [tilespmem:v0+s14+$0x30 ss:$0x1], $0xffff;
	[tilespmem:s15+$0xFFFFFFE0] =	vst v4  }
0x34: {  	v57 =	vld.idx.msk [tilespmem:v0+s14+$0xFFFFFFC0 ss:$0x1], $0xffff;
	[tilespmem:s15+$0xFFFFFFF0] =	vst v3  }
0x35: {  	v58 =	vld.idx.msk [tilespmem:v0+s14+$0xFFFFFFD0 ss:$0x1], $0xffff;
	[tilespmem:s15+$0x0] =	vst v1  }
0x36: {  	v59 =	vld.idx.msk [tilespmem:v0+s14+$0xFFFFFFE0 ss:$0x1], $0xffff;
	[tilespmem:s15+$0x10] =	vst v2  }
0x37: {  	v60 =	vld.idx.msk [tilespmem:v0+s14+$0xFFFFFFF0 ss:$0x1], $0xffff;
	s31 =	sadd.s32 $0x800, s15;
	[tilespmem:s15+$0x20] =	vst v6  }
0x38: {  	v61 =	vld.idx.msk [tilespmem:v0+s14+$0x0 ss:$0x1], $0xffff;
	[tilespmem:s31+$0x30] =	vst v56  }
0x39: {  	v62 =	vld.idx.msk [tilespmem:v0+s14+$0x10 ss:$0x1], $0xffff;
	s13 =	sadd.s32 $0x1, s13;
	[tilespmem:s31+$0xFFFFFFC0] =	vst v57  }
0x3a: {  	v63 =	vld.idx.msk [tilespmem:v0+s14+$0x20 ss:$0x1], $0xffff;
	p1 =	sne.s32 s13, $0x10;
	[tilespmem:s31+$0xFFFFFFD0] =	vst v58  }
.Ltmp4:
0x3b: {  	[tilespmem:s31+$0xFFFFFFE0] =	vst v59;
	(pc) =	sbr.rel @p1 .LBB1_3-.Ltmp4, $4  }
0x3c: {  	[tilespmem:s31+$0xFFFFFFF0] =	vst v60  }
0x3d: {  	[tilespmem:s31+$0x0] =	vst v61  }
0x3e: {  	[tilespmem:s31+$0x10] =	vst v62  }
0x3f: {  	s10 =	sadd.s32 $0x80, s10;
	s11 =	sadd.s32 $0x400, s11;
	[tilespmem:s31+$0x20] =	vst v63  }
.Ltmp5:
0x40: {  	(pc) =	sbr.rel .LBB1_7-.Ltmp5, $4  }
0x41: {  	_ = 	snop  }
0x42: {  	s9 =	sshll.u32 s9, $0xB  }
0x43: {  	s9 =	sadd.s32 s3, s9  }
0x44: {  	[hbm4b:s9+s6] =	stream.linear.scatter [tilespmem:s12], [sflag:$0x2], $0x4000, $0x38;
	[tilespmem:$0x10000] =	vst v63  }
.LBB1_8:
0x45: {  	_ =	sfence.sel $0x180000  }
0x46: {  	s2 =	simm.s32 $0x1;
	[bflag:$0x0] =	sbarrier.arrive $0xFFFF  }
0x47: {  	s31 =	simm.s32 $0x2;
	[sflag:s2] =	ssyncpa.u1 $0x1  }
0x48: {  	[sflag:s31] =	ssyncpa.u1 $0x1  }
0x49: {  	p0 =	sne.s32 s1, $0x0;
	_ =	strace $0x90000047  }
0x4a: {  	s0 =	sadd.s32 @!p0 $0x100000, s0;
	[bflag:$0x2] =	sbarrier.arrive $0xFFFF  }
0x4b: {  	[sflag:s0] =	ssyncadd.tile.s32 @!p0 $0x1;
	_ =	shalt  }
.Lfunc_end1:
_tile_overlayer_lowered:
.L_overlay_start_2:
0x4c: {  	(tag) =	ssettag $0x2  }
0x4d: {  	s0 =	rddreg [dreg:$0x0];
	s2 =	stileid.u32  }
0x4e: {  	s1 =	rddreg [dreg:$0x1];
	p0 =	sne.s32 s2, $0x0  }
0x4f: {  	s3 =	rddreg [dreg:$0x2];
	[bflag:$0x3] =	sbarrier.arrive $0xFFFF;
	s2 =	simm.s32 @!p0 $0x1C01  }
0x50: {  	[timem:s3], [sflag:s2] =	dma.local @!p0 [hbm:s0], s1  }
0x51: {  	s0 =	simm.s32 @!p0 $0x1  }
0x52: {  	_ =	swait.ge @!p0 [sflag:s0], s1  }
0x53: {  	s1 =	ssub.s32 @!p0 $0x0, s1;
	[sflag:s0] =	ssyncset.done @!p0 $0x0  }
0x54: {  	[sflag:s0] =	ssyncadd.s32 @!p0 s1  }
0x55: {  	[bflag:$0x3] =	sbarrier.arrive $0xFFFF  }
0x56: {  	_ =	shalt  }

</sc_bundles>
